<compile_context>
chip_gen: v7x
topology: tpu7x:2x2x1
jax: 0.10.2.dev20260603
libtpu: 0.0.44.dev20260713+nightly
codegen_flags: <defaults>
</compile_context>

<pallas_src>
import functools

import jax
import jax.numpy as jnp
from jax import lax
from jax.experimental import pallas as pl
from jax.experimental.pallas import tpu as pltpu
from jax.experimental.pallas import tpu_sc as plsc

VOCAB = 1000000
EMBED_DIM = 32
BATCH, N_DAYS, N_MSGS, N_WORDS = 1024, 5, 20, 20
B_TOTAL = BATCH * N_DAYS * N_MSGS * N_WORDS

NUM_CORES = 2
NUM_SUBCORES = 16
NW = NUM_CORES * NUM_SUBCORES
B_PER_W = B_TOTAL // NW
CHUNK = 640
N_CHUNKS = B_PER_W // CHUNK
NBUF = 5
LOOKAHEAD = 3
N_GROUPS = N_CHUNKS // NBUF


@jax.jit
def _sc_embed_gather(x_flat, table):
    mesh = plsc.VectorSubcoreMesh(core_axis_name="c", subcore_axis_name="s")

    @functools.partial(
        pl.kernel,
        mesh=mesh,
        out_type=jax.ShapeDtypeStruct((B_TOTAL, EMBED_DIM), jnp.float32),
        scratch_types=[
            [pltpu.VMEM((CHUNK,), jnp.int32)] * NBUF,
            [pltpu.VMEM((CHUNK, EMBED_DIM), jnp.float32)] * NBUF,
            [pltpu.SemaphoreType.DMA] * NBUF,
            [pltpu.SemaphoreType.DMA] * NBUF,
            [pltpu.SemaphoreType.DMA] * NBUF,
        ],
        compiler_params=pltpu.CompilerParams(use_tc_tiling_on_sc=False),
    )
    def k(idx_hbm, table_hbm, out_hbm, idx_v, rows_v, isems, gsems, osems):
        wid = lax.axis_index("s") * NUM_CORES + lax.axis_index("c")
        base = wid * B_PER_W

        def idx_copy(c, s):
            return pltpu.make_async_copy(
                idx_hbm.at[pl.ds(base + c * CHUNK, CHUNK)], idx_v[s], isems[s])

        def gather(c, s):
            return pltpu.make_async_copy(
                table_hbm.at[idx_v[s]], rows_v[s], gsems[0])

        def out_copy(c, s):
            return pltpu.make_async_copy(
                rows_v[s], out_hbm.at[pl.ds(base + c * CHUNK, CHUNK)], osems[s])

        for s in range(NBUF):
            idx_copy(s, s).start()
        for c0 in range(LOOKAHEAD):
            idx_copy(c0, c0 % NBUF).wait()
            gather(c0, c0 % NBUF).start()

        def group(jj, carry):
            for s in range(NBUF):
                c = jj * NBUF + s
                gather(c, s).wait()
                out_copy(c, s).start()
                pl.when(c + NBUF < N_CHUNKS)(
                    lambda: idx_copy(c + NBUF, s).start())

                t = (s + LOOKAHEAD) % NBUF

                def launch():
                    idx_copy(c + LOOKAHEAD, t).wait()
                    pl.when(c + LOOKAHEAD >= NBUF)(
                        lambda: out_copy(c + LOOKAHEAD - NBUF, t).wait())
                    gather(c + LOOKAHEAD, t).start()

                pl.when(c + LOOKAHEAD < N_CHUNKS)(launch)
            return carry

        lax.fori_loop(0, N_GROUPS, group, 0)

        for s in range(NBUF):
            out_copy(N_CHUNKS - NBUF + s, s).wait()

    return k(x_flat, table)


def kernel(x, table):
    out = _sc_embed_gather(x.reshape(-1), table)
    return out.reshape(x.shape + (EMBED_DIM,))

# --- scband reference (transcript-rebuilt; emitter-appended) ---
"""Pipeline reference for scband-word-embed-1915555414204 (READ-ONLY COPY).

The authoritative reference and input builder live on the scoring server;
editing this copy changes nothing except your own understanding.
"""

import jax, jax.numpy as jnp
import numpy as np

VOCAB = 1000000
EMBED_DIM = 32
BATCH, N_DAYS, N_MSGS, N_WORDS = 1024, 5, 20, 20


def setup_inputs(seed: int = 0) -> dict:
    key = jax.random.key(seed)
    k_idx, k_tab = jax.random.split(key)
    x = jax.random.randint(k_idx, (BATCH, N_DAYS, N_MSGS, N_WORDS), 0, VOCAB, dtype=jnp.int32)
    table = jax.random.normal(k_tab, (VOCAB, EMBED_DIM), dtype=jnp.float32) * 0.02
    return {"x": x, "table": table}


def reference(x, table):
    # WordEmbed.forward: embedding lookup; use_in_bn=False so BatchNorm3d is skipped;
    # dropout(p=0.0) / eval mode is identity.
    out = jnp.take(table, x, axis=0)  # (B, days, msgs, words, embed_dim)
    return out

if __name__ == "__main__":
    import jax
    _d = setup_inputs()
    print(jax.jit(kernel)(*tuple(_d.values())))

</pallas_src>

<mosaic_0001>
#map = affine_map<(d0, d1) -> (0)>
#map1 = affine_map<(d0, d1) -> (0, 0)>
module attributes {stable_mosaic.version = 14 : i64} {
  func.func @k(%arg0: i32, %arg1: i32, %arg2: memref<2048000xi32, #tpu.memory_space<hbm>>, %arg3: memref<1000000x32xf32, #tpu.memory_space<hbm>>, %arg4: memref<2048000x32xf32, #tpu.memory_space<hbm>>, %arg5: memref<640xi32, #tpu.memory_space<vmem>>, %arg6: memref<640xi32, #tpu.memory_space<vmem>>, %arg7: memref<640xi32, #tpu.memory_space<vmem>>, %arg8: memref<640xi32, #tpu.memory_space<vmem>>, %arg9: memref<640xi32, #tpu.memory_space<vmem>>, %arg10: memref<640x32xf32, #tpu.memory_space<vmem>>, %arg11: memref<640x32xf32, #tpu.memory_space<vmem>>, %arg12: memref<640x32xf32, #tpu.memory_space<vmem>>, %arg13: memref<640x32xf32, #tpu.memory_space<vmem>>, %arg14: memref<640x32xf32, #tpu.memory_space<vmem>>, %arg15: memref<!tpu.dma_semaphore, #tpu.memory_space<semaphore_mem>>, %arg16: memref<!tpu.dma_semaphore, #tpu.memory_space<semaphore_mem>>, %arg17: memref<!tpu.dma_semaphore, #tpu.memory_space<semaphore_mem>>, %arg18: memref<!tpu.dma_semaphore, #tpu.memory_space<semaphore_mem>>, %arg19: memref<!tpu.dma_semaphore, #tpu.memory_space<semaphore_mem>>, %arg20: memref<!tpu.dma_semaphore, #tpu.memory_space<semaphore_mem>>, %arg21: memref<!tpu.dma_semaphore, #tpu.memory_space<semaphore_mem>>, %arg22: memref<!tpu.dma_semaphore, #tpu.memory_space<semaphore_mem>>, %arg23: memref<!tpu.dma_semaphore, #tpu.memory_space<semaphore_mem>>, %arg24: memref<!tpu.dma_semaphore, #tpu.memory_space<semaphore_mem>>, %arg25: memref<!tpu.dma_semaphore, #tpu.memory_space<semaphore_mem>>, %arg26: memref<!tpu.dma_semaphore, #tpu.memory_space<semaphore_mem>>, %arg27: memref<!tpu.dma_semaphore, #tpu.memory_space<semaphore_mem>>, %arg28: memref<!tpu.dma_semaphore, #tpu.memory_space<semaphore_mem>>, %arg29: memref<!tpu.dma_semaphore, #tpu.memory_space<semaphore_mem>>) attributes {dimension_semantics = [#tpu.dimension_semantics<core_parallel>, #tpu.dimension_semantics<subcore_parallel>], iteration_bounds = array<i64: 2, 16>, scalar_prefetch = 0 : i64, scratch_operands = 25 : i64, tpu.core_type = #tpu.core_type<sc_vector_subcore>, window_params = [{transform_indices = #map}, {transform_indices = #map1}, {transform_indices = #map1}]} {
    %mul3A = arith.constant 2 : i32
    %mul3A_0 = arith.muli %arg1, %mul3A : i32
    %add3A = arith.addi %mul3A_0, %arg0 : i32
    %mul3A_1 = arith.constant 64000 : i32
    %mul3A_2 = arith.muli %add3A, %mul3A_1 : i32
    %add3A_3 = arith.constant 0 : i32
    %add3A_4 = arith.addi %mul3A_2, %add3A_3 : i32
    %dma_start3A = tpu.memref_slice %arg2[%add3A_4] : memref<2048000xi32, #tpu.memory_space<hbm>> -> memref<640xi32, #tpu.memory_space<hbm>>
    %dma_start3A_5 = tpu.memref_slice %arg2[%add3A_4] : memref<2048000xi32, #tpu.memory_space<hbm>> -> memref<640xi32, #tpu.memory_space<hbm>>
    tpu.enqueue_dma source(%dma_start3A_5 : memref<640xi32, #tpu.memory_space<hbm>>) target(%arg5 : memref<640xi32, #tpu.memory_space<vmem>>) target_semaphore(%arg15 : memref<!tpu.dma_semaphore, #tpu.memory_space<semaphore_mem>>)
    %add3A_6 = arith.constant 640 : i32
    %add3A_7 = arith.addi %mul3A_2, %add3A_6 : i32
    %dma_start3A_8 = tpu.memref_slice %arg2[%add3A_7] : memref<2048000xi32, #tpu.memory_space<hbm>> -> memref<640xi32, #tpu.memory_space<hbm>>
    %dma_start3A_9 = tpu.memref_slice %arg2[%add3A_7] : memref<2048000xi32, #tpu.memory_space<hbm>> -> memref<640xi32, #tpu.memory_space<hbm>>
    tpu.enqueue_dma source(%dma_start3A_9 : memref<640xi32, #tpu.memory_space<hbm>>) target(%arg6 : memref<640xi32, #tpu.memory_space<vmem>>) target_semaphore(%arg16 : memref<!tpu.dma_semaphore, #tpu.memory_space<semaphore_mem>>)
    %add3A_10 = arith.constant 1280 : i32
    %add3A_11 = arith.addi %mul3A_2, %add3A_10 : i32
    %dma_start3A_12 = tpu.memref_slice %arg2[%add3A_11] : memref<2048000xi32, #tpu.memory_space<hbm>> -> memref<640xi32, #tpu.memory_space<hbm>>
    %dma_start3A_13 = tpu.memref_slice %arg2[%add3A_11] : memref<2048000xi32, #tpu.memory_space<hbm>> -> memref<640xi32, #tpu.memory_space<hbm>>
    tpu.enqueue_dma source(%dma_start3A_13 : memref<640xi32, #tpu.memory_space<hbm>>) target(%arg7 : memref<640xi32, #tpu.memory_space<vmem>>) target_semaphore(%arg17 : memref<!tpu.dma_semaphore, #tpu.memory_space<semaphore_mem>>)
    %add3A_14 = arith.constant 1920 : i32
    %add3A_15 = arith.addi %mul3A_2, %add3A_14 : i32
    %dma_start3A_16 = tpu.memref_slice %arg2[%add3A_15] : memref<2048000xi32, #tpu.memory_space<hbm>> -> memref<640xi32, #tpu.memory_space<hbm>>
    %dma_start3A_17 = tpu.memref_slice %arg2[%add3A_15] : memref<2048000xi32, #tpu.memory_space<hbm>> -> memref<640xi32, #tpu.memory_space<hbm>>
    tpu.enqueue_dma source(%dma_start3A_17 : memref<640xi32, #tpu.memory_space<hbm>>) target(%arg8 : memref<640xi32, #tpu.memory_space<vmem>>) target_semaphore(%arg18 : memref<!tpu.dma_semaphore, #tpu.memory_space<semaphore_mem>>)
    %add3A_18 = arith.constant 2560 : i32
    %add3A_19 = arith.addi %mul3A_2, %add3A_18 : i32
    %dma_start3A_20 = tpu.memref_slice %arg2[%add3A_19] : memref<2048000xi32, #tpu.memory_space<hbm>> -> memref<640xi32, #tpu.memory_space<hbm>>
    %dma_start3A_21 = tpu.memref_slice %arg2[%add3A_19] : memref<2048000xi32, #tpu.memory_space<hbm>> -> memref<640xi32, #tpu.memory_space<hbm>>
    tpu.enqueue_dma source(%dma_start3A_21 : memref<640xi32, #tpu.memory_space<hbm>>) target(%arg9 : memref<640xi32, #tpu.memory_space<vmem>>) target_semaphore(%arg19 : memref<!tpu.dma_semaphore, #tpu.memory_space<semaphore_mem>>)
    %add3A_22 = arith.constant 0 : i32
    %add3A_23 = arith.addi %mul3A_2, %add3A_22 : i32
    %dma_wait3A = tpu.memref_slice %arg2[%add3A_23] : memref<2048000xi32, #tpu.memory_space<hbm>> -> memref<640xi32, #tpu.memory_space<hbm>>
    %dma_wait3A_24 = tpu.memref_slice %arg2[%add3A_23] : memref<2048000xi32, #tpu.memory_space<hbm>> -> memref<640xi32, #tpu.memory_space<hbm>>
    tpu.wait_dma2 semaphore(%arg15 : memref<!tpu.dma_semaphore, #tpu.memory_space<semaphore_mem>>) src(%dma_wait3A_24 : memref<640xi32, #tpu.memory_space<hbm>>) dst(%arg5 : memref<640xi32, #tpu.memory_space<vmem>>)
    %dma_start3A_25 = arith.constant 0 : i32
    %dma_start3A_26 = arith.constant 0 : i32
    %dma_start3A_27 = tpu.memref_slice %arg3[%dma_start3A_25, %dma_start3A_26] : memref<1000000x32xf32, #tpu.memory_space<hbm>> -> memref<1000000x32xf32, #tpu.memory_space<hbm>>
    tpu.enqueue_indirect_dma source(%dma_start3A_27 : memref<1000000x32xf32, #tpu.memory_space<hbm>>) target(%arg10 : memref<640x32xf32, #tpu.memory_space<vmem>>) offsets(%arg5 : memref<640xi32, #tpu.memory_space<vmem>>) semaphore(%arg20 : memref<!tpu.dma_semaphore, #tpu.memory_space<semaphore_mem>>)
    %add3A_28 = arith.constant 640 : i32
    %add3A_29 = arith.addi %mul3A_2, %add3A_28 : i32
    %dma_wait3A_30 = tpu.memref_slice %arg2[%add3A_29] : memref<2048000xi32, #tpu.memory_space<hbm>> -> memref<640xi32, #tpu.memory_space<hbm>>
    %dma_wait3A_31 = tpu.memref_slice %arg2[%add3A_29] : memref<2048000xi32, #tpu.memory_space<hbm>> -> memref<640xi32, #tpu.memory_space<hbm>>
    tpu.wait_dma2 semaphore(%arg16 : memref<!tpu.dma_semaphore, #tpu.memory_space<semaphore_mem>>) src(%dma_wait3A_31 : memref<640xi32, #tpu.memory_space<hbm>>) dst(%arg6 : memref<640xi32, #tpu.memory_space<vmem>>)
    %dma_start3A_32 = arith.constant 0 : i32
    %dma_start3A_33 = arith.constant 0 : i32
    %dma_start3A_34 = tpu.memref_slice %arg3[%dma_start3A_32, %dma_start3A_33] : memref<1000000x32xf32, #tpu.memory_space<hbm>> -> memref<1000000x32xf32, #tpu.memory_space<hbm>>
    tpu.enqueue_indirect_dma source(%dma_start3A_34 : memref<1000000x32xf32, #tpu.memory_space<hbm>>) target(%arg11 : memref<640x32xf32, #tpu.memory_space<vmem>>) offsets(%arg6 : memref<640xi32, #tpu.memory_space<vmem>>) semaphore(%arg20 : memref<!tpu.dma_semaphore, #tpu.memory_space<semaphore_mem>>)
    %add3A_35 = arith.constant 1280 : i32
    %add3A_36 = arith.addi %mul3A_2, %add3A_35 : i32
    %dma_wait3A_37 = tpu.memref_slice %arg2[%add3A_36] : memref<2048000xi32, #tpu.memory_space<hbm>> -> memref<640xi32, #tpu.memory_space<hbm>>
    %dma_wait3A_38 = tpu.memref_slice %arg2[%add3A_36] : memref<2048000xi32, #tpu.memory_space<hbm>> -> memref<640xi32, #tpu.memory_space<hbm>>
    tpu.wait_dma2 semaphore(%arg17 : memref<!tpu.dma_semaphore, #tpu.memory_space<semaphore_mem>>) src(%dma_wait3A_38 : memref<640xi32, #tpu.memory_space<hbm>>) dst(%arg7 : memref<640xi32, #tpu.memory_space<vmem>>)
    %dma_start3A_39 = arith.constant 0 : i32
    %dma_start3A_40 = arith.constant 0 : i32
    %dma_start3A_41 = tpu.memref_slice %arg3[%dma_start3A_39, %dma_start3A_40] : memref<1000000x32xf32, #tpu.memory_space<hbm>> -> memref<1000000x32xf32, #tpu.memory_space<hbm>>
    tpu.enqueue_indirect_dma source(%dma_start3A_41 : memref<1000000x32xf32, #tpu.memory_space<hbm>>) target(%arg12 : memref<640x32xf32, #tpu.memory_space<vmem>>) offsets(%arg7 : memref<640xi32, #tpu.memory_space<vmem>>) semaphore(%arg20 : memref<!tpu.dma_semaphore, #tpu.memory_space<semaphore_mem>>)
    %scan3A = arith.constant 0 : i32
    %scan3A_42 = arith.constant 0 : i32
    %scan3A_43 = arith.constant 20 : i32
    %scan3A_44 = arith.addi %scan3A_42, %scan3A_43 : i32
    %scan3A_45 = arith.constant 1 : i32
    scf.for %scan3A_77 = %scan3A_42 to %scan3A_44 step %scan3A_45  : i32 {
      %mul3A_78 = arith.constant 5 : i32
      %mul3A_79 = arith.muli %scan3A_77, %mul3A_78 : i32
      %add3A_80 = arith.constant 0 : i32
      %add3A_81 = arith.addi %mul3A_79, %add3A_80 : i32
      %dma_wait3A_82 = arith.constant 0 : i32
      %dma_wait3A_83 = arith.constant 0 : i32
      %dma_wait3A_84 = tpu.memref_slice %arg3[%dma_wait3A_82, %dma_wait3A_83] : memref<1000000x32xf32, #tpu.memory_space<hbm>> -> memref<1000000x32xf32, #tpu.memory_space<hbm>>
      tpu.wait_indirect_dma semaphore(%arg20 : memref<!tpu.dma_semaphore, #tpu.memory_space<semaphore_mem>>) src(%dma_wait3A_84 : memref<1000000x32xf32, #tpu.memory_space<hbm>>) dst(%arg10 : memref<640x32xf32, #tpu.memory_space<vmem>>)
      %mul3A_85 = arith.constant 640 : i32
      %mul3A_86 = arith.muli %add3A_81, %mul3A_85 : i32
      %add3A_87 = arith.addi %mul3A_2, %mul3A_86 : i32
      %dma_start3A_88 = arith.constant 0 : i32
      %dma_start3A_89 = tpu.memref_slice %arg4[%add3A_87, %dma_start3A_88] : memref<2048000x32xf32, #tpu.memory_space<hbm>> -> memref<640x32xf32, #tpu.memory_space<hbm>>
      %dma_start3A_90 = arith.constant 0 : i32
      %dma_start3A_91 = tpu.memref_slice %arg4[%add3A_87, %dma_start3A_90] : memref<2048000x32xf32, #tpu.memory_space<hbm>> -> memref<640x32xf32, #tpu.memory_space<hbm>>
      tpu.enqueue_dma source(%arg10 : memref<640x32xf32, #tpu.memory_space<vmem>>) target(%dma_start3A_91 : memref<640x32xf32, #tpu.memory_space<hbm>>) target_semaphore(%arg25 : memref<!tpu.dma_semaphore, #tpu.memory_space<semaphore_mem>>)
      %add3A_92 = arith.constant 5 : i32
      %add3A_93 = arith.addi %add3A_81, %add3A_92 : i32
      %lt3A = arith.constant 100 : i32
      %lt3A_94 = arith.cmpi slt, %add3A_93, %lt3A : i32
      %convert_element_type3A = arith.extui %lt3A_94 : i1 to i32
      %cond3A = arith.constant 0 : i32
      %cond3A_95 = arith.cmpi ne, %convert_element_type3A, %cond3A : i32
      scf.if %cond3A_95 {
        %add3A_215 = arith.constant 5 : i32
        %add3A_216 = arith.addi %add3A_81, %add3A_215 : i32
        %mul3A_217 = arith.constant 640 : i32
        %mul3A_218 = arith.muli %add3A_216, %mul3A_217 : i32
        %add3A_219 = arith.addi %mul3A_2, %mul3A_218 : i32
        %dma_start3A_220 = tpu.memref_slice %arg2[%add3A_219] : memref<2048000xi32, #tpu.memory_space<hbm>> -> memref<640xi32, #tpu.memory_space<hbm>>
        %dma_start3A_221 = tpu.memref_slice %arg2[%add3A_219] : memref<2048000xi32, #tpu.memory_space<hbm>> -> memref<640xi32, #tpu.memory_space<hbm>>
        tpu.enqueue_dma source(%dma_start3A_221 : memref<640xi32, #tpu.memory_space<hbm>>) target(%arg5 : memref<640xi32, #tpu.memory_space<vmem>>) target_semaphore(%arg15 : memref<!tpu.dma_semaphore, #tpu.memory_space<semaphore_mem>>)
      } else {
      }
      %add3A_96 = arith.constant 3 : i32
      %add3A_97 = arith.addi %add3A_81, %add3A_96 : i32
      %lt3A_98 = arith.constant 100 : i32
      %lt3A_99 = arith.cmpi slt, %add3A_97, %lt3A_98 : i32
      %convert_element_type3A_100 = arith.extui %lt3A_99 : i1 to i32
      %cond3A_101 = arith.constant 0 : i32
      %cond3A_102 = arith.cmpi ne, %convert_element_type3A_100, %cond3A_101 : i32
      scf.if %cond3A_102 {
        %add3A_215 = arith.constant 3 : i32
        %add3A_216 = arith.addi %add3A_81, %add3A_215 : i32
        %mul3A_217 = arith.constant 640 : i32
        %mul3A_218 = arith.muli %add3A_216, %mul3A_217 : i32
        %add3A_219 = arith.addi %mul3A_2, %mul3A_218 : i32
        %dma_wait3A_220 = tpu.memref_slice %arg2[%add3A_219] : memref<2048000xi32, #tpu.memory_space<hbm>> -> memref<640xi32, #tpu.memory_space<hbm>>
        %dma_wait3A_221 = tpu.memref_slice %arg2[%add3A_219] : memref<2048000xi32, #tpu.memory_space<hbm>> -> memref<640xi32, #tpu.memory_space<hbm>>
        tpu.wait_dma2 semaphore(%arg18 : memref<!tpu.dma_semaphore, #tpu.memory_space<semaphore_mem>>) src(%dma_wait3A_221 : memref<640xi32, #tpu.memory_space<hbm>>) dst(%arg8 : memref<640xi32, #tpu.memory_space<vmem>>)
        %add3A_222 = arith.constant 3 : i32
        %add3A_223 = arith.addi %add3A_81, %add3A_222 : i32
        %ge3A = arith.constant 5 : i32
        %ge3A_224 = arith.cmpi sge, %add3A_223, %ge3A : i32
        %convert_element_type3A_225 = arith.extui %ge3A_224 : i1 to i32
        %cond3A_226 = arith.constant 0 : i32
        %cond3A_227 = arith.cmpi ne, %convert_element_type3A_225, %cond3A_226 : i32
        scf.if %cond3A_227 {
          %add3A_233 = arith.constant 3 : i32
          %add3A_234 = arith.addi %add3A_81, %add3A_233 : i32
          %sub3A = arith.constant 5 : i32
          %sub3A_235 = arith.subi %add3A_234, %sub3A : i32
          %mul3A_236 = arith.constant 640 : i32
          %mul3A_237 = arith.muli %sub3A_235, %mul3A_236 : i32
          %add3A_238 = arith.addi %mul3A_2, %mul3A_237 : i32
          %dma_wait3A_239 = arith.constant 0 : i32
          %dma_wait3A_240 = tpu.memref_slice %arg4[%add3A_238, %dma_wait3A_239] : memref<2048000x32xf32, #tpu.memory_space<hbm>> -> memref<640x32xf32, #tpu.memory_space<hbm>>
          %dma_wait3A_241 = arith.constant 0 : i32
          %dma_wait3A_242 = tpu.memref_slice %arg4[%add3A_238, %dma_wait3A_241] : memref<2048000x32xf32, #tpu.memory_space<hbm>> -> memref<640x32xf32, #tpu.memory_space<hbm>>
          tpu.wait_dma2 semaphore(%arg28 : memref<!tpu.dma_semaphore, #tpu.memory_space<semaphore_mem>>) src(%arg13 : memref<640x32xf32, #tpu.memory_space<vmem>>) dst(%dma_wait3A_242 : memref<640x32xf32, #tpu.memory_space<hbm>>)
        } else {
        }
        %add3A_228 = arith.constant 3 : i32
        %add3A_229 = arith.addi %add3A_81, %add3A_228 : i32
        %dma_start3A_230 = arith.constant 0 : i32
        %dma_start3A_231 = arith.constant 0 : i32
        %dma_start3A_232 = tpu.memref_slice %arg3[%dma_start3A_230, %dma_start3A_231] : memref<1000000x32xf32, #tpu.memory_space<hbm>> -> memref<1000000x32xf32, #tpu.memory_space<hbm>>
        tpu.enqueue_indirect_dma source(%dma_start3A_232 : memref<1000000x32xf32, #tpu.memory_space<hbm>>) target(%arg13 : memref<640x32xf32, #tpu.memory_space<vmem>>) offsets(%arg8 : memref<640xi32, #tpu.memory_space<vmem>>) semaphore(%arg20 : memref<!tpu.dma_semaphore, #tpu.memory_space<semaphore_mem>>)
      } else {
      }
      %mul3A_103 = arith.constant 5 : i32
      %mul3A_104 = arith.muli %scan3A_77, %mul3A_103 : i32
      %add3A_105 = arith.constant 1 : i32
      %add3A_106 = arith.addi %mul3A_104, %add3A_105 : i32
      %dma_wait3A_107 = arith.constant 0 : i32
      %dma_wait3A_108 = arith.constant 0 : i32
      %dma_wait3A_109 = tpu.memref_slice %arg3[%dma_wait3A_107, %dma_wait3A_108] : memref<1000000x32xf32, #tpu.memory_space<hbm>> -> memref<1000000x32xf32, #tpu.memory_space<hbm>>
      tpu.wait_indirect_dma semaphore(%arg20 : memref<!tpu.dma_semaphore, #tpu.memory_space<semaphore_mem>>) src(%dma_wait3A_109 : memref<1000000x32xf32, #tpu.memory_space<hbm>>) dst(%arg11 : memref<640x32xf32, #tpu.memory_space<vmem>>)
      %mul3A_110 = arith.constant 640 : i32
      %mul3A_111 = arith.muli %add3A_106, %mul3A_110 : i32
      %add3A_112 = arith.addi %mul3A_2, %mul3A_111 : i32
      %dma_start3A_113 = arith.constant 0 : i32
      %dma_start3A_114 = tpu.memref_slice %arg4[%add3A_112, %dma_start3A_113] : memref<2048000x32xf32, #tpu.memory_space<hbm>> -> memref<640x32xf32, #tpu.memory_space<hbm>>
      %dma_start3A_115 = arith.constant 0 : i32
      %dma_start3A_116 = tpu.memref_slice %arg4[%add3A_112, %dma_start3A_115] : memref<2048000x32xf32, #tpu.memory_space<hbm>> -> memref<640x32xf32, #tpu.memory_space<hbm>>
      tpu.enqueue_dma source(%arg11 : memref<640x32xf32, #tpu.memory_space<vmem>>) target(%dma_start3A_116 : memref<640x32xf32, #tpu.memory_space<hbm>>) target_semaphore(%arg26 : memref<!tpu.dma_semaphore, #tpu.memory_space<semaphore_mem>>)
      %add3A_117 = arith.constant 5 : i32
      %add3A_118 = arith.addi %add3A_106, %add3A_117 : i32
      %lt3A_119 = arith.constant 100 : i32
      %lt3A_120 = arith.cmpi slt, %add3A_118, %lt3A_119 : i32
      %convert_element_type3A_121 = arith.extui %lt3A_120 : i1 to i32
      %cond3A_122 = arith.constant 0 : i32
      %cond3A_123 = arith.cmpi ne, %convert_element_type3A_121, %cond3A_122 : i32
      scf.if %cond3A_123 {
        %add3A_215 = arith.constant 5 : i32
        %add3A_216 = arith.addi %add3A_106, %add3A_215 : i32
        %mul3A_217 = arith.constant 640 : i32
        %mul3A_218 = arith.muli %add3A_216, %mul3A_217 : i32
        %add3A_219 = arith.addi %mul3A_2, %mul3A_218 : i32
        %dma_start3A_220 = tpu.memref_slice %arg2[%add3A_219] : memref<2048000xi32, #tpu.memory_space<hbm>> -> memref<640xi32, #tpu.memory_space<hbm>>
        %dma_start3A_221 = tpu.memref_slice %arg2[%add3A_219] : memref<2048000xi32, #tpu.memory_space<hbm>> -> memref<640xi32, #tpu.memory_space<hbm>>
        tpu.enqueue_dma source(%dma_start3A_221 : memref<640xi32, #tpu.memory_space<hbm>>) target(%arg6 : memref<640xi32, #tpu.memory_space<vmem>>) target_semaphore(%arg16 : memref<!tpu.dma_semaphore, #tpu.memory_space<semaphore_mem>>)
      } else {
      }
      %add3A_124 = arith.constant 3 : i32
      %add3A_125 = arith.addi %add3A_106, %add3A_124 : i32
      %lt3A_126 = arith.constant 100 : i32
      %lt3A_127 = arith.cmpi slt, %add3A_125, %lt3A_126 : i32
      %convert_element_type3A_128 = arith.extui %lt3A_127 : i1 to i32
      %cond3A_129 = arith.constant 0 : i32
      %cond3A_130 = arith.cmpi ne, %convert_element_type3A_128, %cond3A_129 : i32
      scf.if %cond3A_130 {
        %add3A_215 = arith.constant 3 : i32
        %add3A_216 = arith.addi %add3A_106, %add3A_215 : i32
        %mul3A_217 = arith.constant 640 : i32
        %mul3A_218 = arith.muli %add3A_216, %mul3A_217 : i32
        %add3A_219 = arith.addi %mul3A_2, %mul3A_218 : i32
        %dma_wait3A_220 = tpu.memref_slice %arg2[%add3A_219] : memref<2048000xi32, #tpu.memory_space<hbm>> -> memref<640xi32, #tpu.memory_space<hbm>>
        %dma_wait3A_221 = tpu.memref_slice %arg2[%add3A_219] : memref<2048000xi32, #tpu.memory_space<hbm>> -> memref<640xi32, #tpu.memory_space<hbm>>
        tpu.wait_dma2 semaphore(%arg19 : memref<!tpu.dma_semaphore, #tpu.memory_space<semaphore_mem>>) src(%dma_wait3A_221 : memref<640xi32, #tpu.memory_space<hbm>>) dst(%arg9 : memref<640xi32, #tpu.memory_space<vmem>>)
        %add3A_222 = arith.constant 3 : i32
        %add3A_223 = arith.addi %add3A_106, %add3A_222 : i32
        %ge3A = arith.constant 5 : i32
        %ge3A_224 = arith.cmpi sge, %add3A_223, %ge3A : i32
        %convert_element_type3A_225 = arith.extui %ge3A_224 : i1 to i32
        %cond3A_226 = arith.constant 0 : i32
        %cond3A_227 = arith.cmpi ne, %convert_element_type3A_225, %cond3A_226 : i32
        scf.if %cond3A_227 {
          %add3A_233 = arith.constant 3 : i32
          %add3A_234 = arith.addi %add3A_106, %add3A_233 : i32
          %sub3A = arith.constant 5 : i32
          %sub3A_235 = arith.subi %add3A_234, %sub3A : i32
          %mul3A_236 = arith.constant 640 : i32
          %mul3A_237 = arith.muli %sub3A_235, %mul3A_236 : i32
          %add3A_238 = arith.addi %mul3A_2, %mul3A_237 : i32
          %dma_wait3A_239 = arith.constant 0 : i32
          %dma_wait3A_240 = tpu.memref_slice %arg4[%add3A_238, %dma_wait3A_239] : memref<2048000x32xf32, #tpu.memory_space<hbm>> -> memref<640x32xf32, #tpu.memory_space<hbm>>
          %dma_wait3A_241 = arith.constant 0 : i32
          %dma_wait3A_242 = tpu.memref_slice %arg4[%add3A_238, %dma_wait3A_241] : memref<2048000x32xf32, #tpu.memory_space<hbm>> -> memref<640x32xf32, #tpu.memory_space<hbm>>
          tpu.wait_dma2 semaphore(%arg29 : memref<!tpu.dma_semaphore, #tpu.memory_space<semaphore_mem>>) src(%arg14 : memref<640x32xf32, #tpu.memory_space<vmem>>) dst(%dma_wait3A_242 : memref<640x32xf32, #tpu.memory_space<hbm>>)
        } else {
        }
        %add3A_228 = arith.constant 3 : i32
        %add3A_229 = arith.addi %add3A_106, %add3A_228 : i32
        %dma_start3A_230 = arith.constant 0 : i32
        %dma_start3A_231 = arith.constant 0 : i32
        %dma_start3A_232 = tpu.memref_slice %arg3[%dma_start3A_230, %dma_start3A_231] : memref<1000000x32xf32, #tpu.memory_space<hbm>> -> memref<1000000x32xf32, #tpu.memory_space<hbm>>
        tpu.enqueue_indirect_dma source(%dma_start3A_232 : memref<1000000x32xf32, #tpu.memory_space<hbm>>) target(%arg14 : memref<640x32xf32, #tpu.memory_space<vmem>>) offsets(%arg9 : memref<640xi32, #tpu.memory_space<vmem>>) semaphore(%arg20 : memref<!tpu.dma_semaphore, #tpu.memory_space<semaphore_mem>>)
      } else {
      }
      %mul3A_131 = arith.constant 5 : i32
      %mul3A_132 = arith.muli %scan3A_77, %mul3A_131 : i32
      %add3A_133 = arith.constant 2 : i32
      %add3A_134 = arith.addi %mul3A_132, %add3A_133 : i32
      %dma_wait3A_135 = arith.constant 0 : i32
      %dma_wait3A_136 = arith.constant 0 : i32
      %dma_wait3A_137 = tpu.memref_slice %arg3[%dma_wait3A_135, %dma_wait3A_136] : memref<1000000x32xf32, #tpu.memory_space<hbm>> -> memref<1000000x32xf32, #tpu.memory_space<hbm>>
      tpu.wait_indirect_dma semaphore(%arg20 : memref<!tpu.dma_semaphore, #tpu.memory_space<semaphore_mem>>) src(%dma_wait3A_137 : memref<1000000x32xf32, #tpu.memory_space<hbm>>) dst(%arg12 : memref<640x32xf32, #tpu.memory_space<vmem>>)
      %mul3A_138 = arith.constant 640 : i32
      %mul3A_139 = arith.muli %add3A_134, %mul3A_138 : i32
      %add3A_140 = arith.addi %mul3A_2, %mul3A_139 : i32
      %dma_start3A_141 = arith.constant 0 : i32
      %dma_start3A_142 = tpu.memref_slice %arg4[%add3A_140, %dma_start3A_141] : memref<2048000x32xf32, #tpu.memory_space<hbm>> -> memref<640x32xf32, #tpu.memory_space<hbm>>
      %dma_start3A_143 = arith.constant 0 : i32
      %dma_start3A_144 = tpu.memref_slice %arg4[%add3A_140, %dma_start3A_143] : memref<2048000x32xf32, #tpu.memory_space<hbm>> -> memref<640x32xf32, #tpu.memory_space<hbm>>
      tpu.enqueue_dma source(%arg12 : memref<640x32xf32, #tpu.memory_space<vmem>>) target(%dma_start3A_144 : memref<640x32xf32, #tpu.memory_space<hbm>>) target_semaphore(%arg27 : memref<!tpu.dma_semaphore, #tpu.memory_space<semaphore_mem>>)
      %add3A_145 = arith.constant 5 : i32
      %add3A_146 = arith.addi %add3A_134, %add3A_145 : i32
      %lt3A_147 = arith.constant 100 : i32
      %lt3A_148 = arith.cmpi slt, %add3A_146, %lt3A_147 : i32
      %convert_element_type3A_149 = arith.extui %lt3A_148 : i1 to i32
      %cond3A_150 = arith.constant 0 : i32
      %cond3A_151 = arith.cmpi ne, %convert_element_type3A_149, %cond3A_150 : i32
      scf.if %cond3A_151 {
        %add3A_215 = arith.constant 5 : i32
        %add3A_216 = arith.addi %add3A_134, %add3A_215 : i32
        %mul3A_217 = arith.constant 640 : i32
        %mul3A_218 = arith.muli %add3A_216, %mul3A_217 : i32
        %add3A_219 = arith.addi %mul3A_2, %mul3A_218 : i32
        %dma_start3A_220 = tpu.memref_slice %arg2[%add3A_219] : memref<2048000xi32, #tpu.memory_space<hbm>> -> memref<640xi32, #tpu.memory_space<hbm>>
        %dma_start3A_221 = tpu.memref_slice %arg2[%add3A_219] : memref<2048000xi32, #tpu.memory_space<hbm>> -> memref<640xi32, #tpu.memory_space<hbm>>
        tpu.enqueue_dma source(%dma_start3A_221 : memref<640xi32, #tpu.memory_space<hbm>>) target(%arg7 : memref<640xi32, #tpu.memory_space<vmem>>) target_semaphore(%arg17 : memref<!tpu.dma_semaphore, #tpu.memory_space<semaphore_mem>>)
      } else {
      }
      %add3A_152 = arith.constant 3 : i32
      %add3A_153 = arith.addi %add3A_134, %add3A_152 : i32
      %lt3A_154 = arith.constant 100 : i32
      %lt3A_155 = arith.cmpi slt, %add3A_153, %lt3A_154 : i32
      %convert_element_type3A_156 = arith.extui %lt3A_155 : i1 to i32
      %cond3A_157 = arith.constant 0 : i32
      %cond3A_158 = arith.cmpi ne, %convert_element_type3A_156, %cond3A_157 : i32
      scf.if %cond3A_158 {
        %add3A_215 = arith.constant 3 : i32
        %add3A_216 = arith.addi %add3A_134, %add3A_215 : i32
        %mul3A_217 = arith.constant 640 : i32
        %mul3A_218 = arith.muli %add3A_216, %mul3A_217 : i32
        %add3A_219 = arith.addi %mul3A_2, %mul3A_218 : i32
        %dma_wait3A_220 = tpu.memref_slice %arg2[%add3A_219] : memref<2048000xi32, #tpu.memory_space<hbm>> -> memref<640xi32, #tpu.memory_space<hbm>>
        %dma_wait3A_221 = tpu.memref_slice %arg2[%add3A_219] : memref<2048000xi32, #tpu.memory_space<hbm>> -> memref<640xi32, #tpu.memory_space<hbm>>
        tpu.wait_dma2 semaphore(%arg15 : memref<!tpu.dma_semaphore, #tpu.memory_space<semaphore_mem>>) src(%dma_wait3A_221 : memref<640xi32, #tpu.memory_space<hbm>>) dst(%arg5 : memref<640xi32, #tpu.memory_space<vmem>>)
        %add3A_222 = arith.constant 3 : i32
        %add3A_223 = arith.addi %add3A_134, %add3A_222 : i32
        %ge3A = arith.constant 5 : i32
        %ge3A_224 = arith.cmpi sge, %add3A_223, %ge3A : i32
        %convert_element_type3A_225 = arith.extui %ge3A_224 : i1 to i32
        %cond3A_226 = arith.constant 0 : i32
        %cond3A_227 = arith.cmpi ne, %convert_element_type3A_225, %cond3A_226 : i32
        scf.if %cond3A_227 {
          %add3A_233 = arith.constant 3 : i32
          %add3A_234 = arith.addi %add3A_134, %add3A_233 : i32
          %sub3A = arith.constant 5 : i32
          %sub3A_235 = arith.subi %add3A_234, %sub3A : i32
          %mul3A_236 = arith.constant 640 : i32
          %mul3A_237 = arith.muli %sub3A_235, %mul3A_236 : i32
          %add3A_238 = arith.addi %mul3A_2, %mul3A_237 : i32
          %dma_wait3A_239 = arith.constant 0 : i32
          %dma_wait3A_240 = tpu.memref_slice %arg4[%add3A_238, %dma_wait3A_239] : memref<2048000x32xf32, #tpu.memory_space<hbm>> -> memref<640x32xf32, #tpu.memory_space<hbm>>
          %dma_wait3A_241 = arith.constant 0 : i32
          %dma_wait3A_242 = tpu.memref_slice %arg4[%add3A_238, %dma_wait3A_241] : memref<2048000x32xf32, #tpu.memory_space<hbm>> -> memref<640x32xf32, #tpu.memory_space<hbm>>
          tpu.wait_dma2 semaphore(%arg25 : memref<!tpu.dma_semaphore, #tpu.memory_space<semaphore_mem>>) src(%arg10 : memref<640x32xf32, #tpu.memory_space<vmem>>) dst(%dma_wait3A_242 : memref<640x32xf32, #tpu.memory_space<hbm>>)
        } else {
        }
        %add3A_228 = arith.constant 3 : i32
        %add3A_229 = arith.addi %add3A_134, %add3A_228 : i32
        %dma_start3A_230 = arith.constant 0 : i32
        %dma_start3A_231 = arith.constant 0 : i32
        %dma_start3A_232 = tpu.memref_slice %arg3[%dma_start3A_230, %dma_start3A_231] : memref<1000000x32xf32, #tpu.memory_space<hbm>> -> memref<1000000x32xf32, #tpu.memory_space<hbm>>
        tpu.enqueue_indirect_dma source(%dma_start3A_232 : memref<1000000x32xf32, #tpu.memory_space<hbm>>) target(%arg10 : memref<640x32xf32, #tpu.memory_space<vmem>>) offsets(%arg5 : memref<640xi32, #tpu.memory_space<vmem>>) semaphore(%arg20 : memref<!tpu.dma_semaphore, #tpu.memory_space<semaphore_mem>>)
      } else {
      }
      %mul3A_159 = arith.constant 5 : i32
      %mul3A_160 = arith.muli %scan3A_77, %mul3A_159 : i32
      %add3A_161 = arith.constant 3 : i32
      %add3A_162 = arith.addi %mul3A_160, %add3A_161 : i32
      %dma_wait3A_163 = arith.constant 0 : i32
      %dma_wait3A_164 = arith.constant 0 : i32
      %dma_wait3A_165 = tpu.memref_slice %arg3[%dma_wait3A_163, %dma_wait3A_164] : memref<1000000x32xf32, #tpu.memory_space<hbm>> -> memref<1000000x32xf32, #tpu.memory_space<hbm>>
      tpu.wait_indirect_dma semaphore(%arg20 : memref<!tpu.dma_semaphore, #tpu.memory_space<semaphore_mem>>) src(%dma_wait3A_165 : memref<1000000x32xf32, #tpu.memory_space<hbm>>) dst(%arg13 : memref<640x32xf32, #tpu.memory_space<vmem>>)
      %mul3A_166 = arith.constant 640 : i32
      %mul3A_167 = arith.muli %add3A_162, %mul3A_166 : i32
      %add3A_168 = arith.addi %mul3A_2, %mul3A_167 : i32
      %dma_start3A_169 = arith.constant 0 : i32
      %dma_start3A_170 = tpu.memref_slice %arg4[%add3A_168, %dma_start3A_169] : memref<2048000x32xf32, #tpu.memory_space<hbm>> -> memref<640x32xf32, #tpu.memory_space<hbm>>
      %dma_start3A_171 = arith.constant 0 : i32
      %dma_start3A_172 = tpu.memref_slice %arg4[%add3A_168, %dma_start3A_171] : memref<2048000x32xf32, #tpu.memory_space<hbm>> -> memref<640x32xf32, #tpu.memory_space<hbm>>
      tpu.enqueue_dma source(%arg13 : memref<640x32xf32, #tpu.memory_space<vmem>>) target(%dma_start3A_172 : memref<640x32xf32, #tpu.memory_space<hbm>>) target_semaphore(%arg28 : memref<!tpu.dma_semaphore, #tpu.memory_space<semaphore_mem>>)
      %add3A_173 = arith.constant 5 : i32
      %add3A_174 = arith.addi %add3A_162, %add3A_173 : i32
      %lt3A_175 = arith.constant 100 : i32
      %lt3A_176 = arith.cmpi slt, %add3A_174, %lt3A_175 : i32
      %convert_element_type3A_177 = arith.extui %lt3A_176 : i1 to i32
      %cond3A_178 = arith.constant 0 : i32
      %cond3A_179 = arith.cmpi ne, %convert_element_type3A_177, %cond3A_178 : i32
      scf.if %cond3A_179 {
        %add3A_215 = arith.constant 5 : i32
        %add3A_216 = arith.addi %add3A_162, %add3A_215 : i32
        %mul3A_217 = arith.constant 640 : i32
        %mul3A_218 = arith.muli %add3A_216, %mul3A_217 : i32
        %add3A_219 = arith.addi %mul3A_2, %mul3A_218 : i32
        %dma_start3A_220 = tpu.memref_slice %arg2[%add3A_219] : memref<2048000xi32, #tpu.memory_space<hbm>> -> memref<640xi32, #tpu.memory_space<hbm>>
        %dma_start3A_221 = tpu.memref_slice %arg2[%add3A_219] : memref<2048000xi32, #tpu.memory_space<hbm>> -> memref<640xi32, #tpu.memory_space<hbm>>
        tpu.enqueue_dma source(%dma_start3A_221 : memref<640xi32, #tpu.memory_space<hbm>>) target(%arg8 : memref<640xi32, #tpu.memory_space<vmem>>) target_semaphore(%arg18 : memref<!tpu.dma_semaphore, #tpu.memory_space<semaphore_mem>>)
      } else {
      }
      %add3A_180 = arith.constant 3 : i32
      %add3A_181 = arith.addi %add3A_162, %add3A_180 : i32
      %lt3A_182 = arith.constant 100 : i32
      %lt3A_183 = arith.cmpi slt, %add3A_181, %lt3A_182 : i32
      %convert_element_type3A_184 = arith.extui %lt3A_183 : i1 to i32
      %cond3A_185 = arith.constant 0 : i32
      %cond3A_186 = arith.cmpi ne, %convert_element_type3A_184, %cond3A_185 : i32
      scf.if %cond3A_186 {
        %add3A_215 = arith.constant 3 : i32
        %add3A_216 = arith.addi %add3A_162, %add3A_215 : i32
        %mul3A_217 = arith.constant 640 : i32
        %mul3A_218 = arith.muli %add3A_216, %mul3A_217 : i32
        %add3A_219 = arith.addi %mul3A_2, %mul3A_218 : i32
        %dma_wait3A_220 = tpu.memref_slice %arg2[%add3A_219] : memref<2048000xi32, #tpu.memory_space<hbm>> -> memref<640xi32, #tpu.memory_space<hbm>>
        %dma_wait3A_221 = tpu.memref_slice %arg2[%add3A_219] : memref<2048000xi32, #tpu.memory_space<hbm>> -> memref<640xi32, #tpu.memory_space<hbm>>
        tpu.wait_dma2 semaphore(%arg16 : memref<!tpu.dma_semaphore, #tpu.memory_space<semaphore_mem>>) src(%dma_wait3A_221 : memref<640xi32, #tpu.memory_space<hbm>>) dst(%arg6 : memref<640xi32, #tpu.memory_space<vmem>>)
        %add3A_222 = arith.constant 3 : i32
        %add3A_223 = arith.addi %add3A_162, %add3A_222 : i32
        %ge3A = arith.constant 5 : i32
        %ge3A_224 = arith.cmpi sge, %add3A_223, %ge3A : i32
        %convert_element_type3A_225 = arith.extui %ge3A_224 : i1 to i32
        %cond3A_226 = arith.constant 0 : i32
        %cond3A_227 = arith.cmpi ne, %convert_element_type3A_225, %cond3A_226 : i32
        scf.if %cond3A_227 {
          %add3A_233 = arith.constant 3 : i32
          %add3A_234 = arith.addi %add3A_162, %add3A_233 : i32
          %sub3A = arith.constant 5 : i32
          %sub3A_235 = arith.subi %add3A_234, %sub3A : i32
          %mul3A_236 = arith.constant 640 : i32
          %mul3A_237 = arith.muli %sub3A_235, %mul3A_236 : i32
          %add3A_238 = arith.addi %mul3A_2, %mul3A_237 : i32
          %dma_wait3A_239 = arith.constant 0 : i32
          %dma_wait3A_240 = tpu.memref_slice %arg4[%add3A_238, %dma_wait3A_239] : memref<2048000x32xf32, #tpu.memory_space<hbm>> -> memref<640x32xf32, #tpu.memory_space<hbm>>
          %dma_wait3A_241 = arith.constant 0 : i32
          %dma_wait3A_242 = tpu.memref_slice %arg4[%add3A_238, %dma_wait3A_241] : memref<2048000x32xf32, #tpu.memory_space<hbm>> -> memref<640x32xf32, #tpu.memory_space<hbm>>
          tpu.wait_dma2 semaphore(%arg26 : memref<!tpu.dma_semaphore, #tpu.memory_space<semaphore_mem>>) src(%arg11 : memref<640x32xf32, #tpu.memory_space<vmem>>) dst(%dma_wait3A_242 : memref<640x32xf32, #tpu.memory_space<hbm>>)
        } else {
        }
        %add3A_228 = arith.constant 3 : i32
        %add3A_229 = arith.addi %add3A_162, %add3A_228 : i32
        %dma_start3A_230 = arith.constant 0 : i32
        %dma_start3A_231 = arith.constant 0 : i32
        %dma_start3A_232 = tpu.memref_slice %arg3[%dma_start3A_230, %dma_start3A_231] : memref<1000000x32xf32, #tpu.memory_space<hbm>> -> memref<1000000x32xf32, #tpu.memory_space<hbm>>
        tpu.enqueue_indirect_dma source(%dma_start3A_232 : memref<1000000x32xf32, #tpu.memory_space<hbm>>) target(%arg11 : memref<640x32xf32, #tpu.memory_space<vmem>>) offsets(%arg6 : memref<640xi32, #tpu.memory_space<vmem>>) semaphore(%arg20 : memref<!tpu.dma_semaphore, #tpu.memory_space<semaphore_mem>>)
      } else {
      }
      %mul3A_187 = arith.constant 5 : i32
      %mul3A_188 = arith.muli %scan3A_77, %mul3A_187 : i32
      %add3A_189 = arith.constant 4 : i32
      %add3A_190 = arith.addi %mul3A_188, %add3A_189 : i32
      %dma_wait3A_191 = arith.constant 0 : i32
      %dma_wait3A_192 = arith.constant 0 : i32
      %dma_wait3A_193 = tpu.memref_slice %arg3[%dma_wait3A_191, %dma_wait3A_192] : memref<1000000x32xf32, #tpu.memory_space<hbm>> -> memref<1000000x32xf32, #tpu.memory_space<hbm>>
      tpu.wait_indirect_dma semaphore(%arg20 : memref<!tpu.dma_semaphore, #tpu.memory_space<semaphore_mem>>) src(%dma_wait3A_193 : memref<1000000x32xf32, #tpu.memory_space<hbm>>) dst(%arg14 : memref<640x32xf32, #tpu.memory_space<vmem>>)
      %mul3A_194 = arith.constant 640 : i32
      %mul3A_195 = arith.muli %add3A_190, %mul3A_194 : i32
      %add3A_196 = arith.addi %mul3A_2, %mul3A_195 : i32
      %dma_start3A_197 = arith.constant 0 : i32
      %dma_start3A_198 = tpu.memref_slice %arg4[%add3A_196, %dma_start3A_197] : memref<2048000x32xf32, #tpu.memory_space<hbm>> -> memref<640x32xf32, #tpu.memory_space<hbm>>
      %dma_start3A_199 = arith.constant 0 : i32
      %dma_start3A_200 = tpu.memref_slice %arg4[%add3A_196, %dma_start3A_199] : memref<2048000x32xf32, #tpu.memory_space<hbm>> -> memref<640x32xf32, #tpu.memory_space<hbm>>
      tpu.enqueue_dma source(%arg14 : memref<640x32xf32, #tpu.memory_space<vmem>>) target(%dma_start3A_200 : memref<640x32xf32, #tpu.memory_space<hbm>>) target_semaphore(%arg29 : memref<!tpu.dma_semaphore, #tpu.memory_space<semaphore_mem>>)
      %add3A_201 = arith.constant 5 : i32
      %add3A_202 = arith.addi %add3A_190, %add3A_201 : i32
      %lt3A_203 = arith.constant 100 : i32
      %lt3A_204 = arith.cmpi slt, %add3A_202, %lt3A_203 : i32
      %convert_element_type3A_205 = arith.extui %lt3A_204 : i1 to i32
      %cond3A_206 = arith.constant 0 : i32
      %cond3A_207 = arith.cmpi ne, %convert_element_type3A_205, %cond3A_206 : i32
      scf.if %cond3A_207 {
        %add3A_215 = arith.constant 5 : i32
        %add3A_216 = arith.addi %add3A_190, %add3A_215 : i32
        %mul3A_217 = arith.constant 640 : i32
        %mul3A_218 = arith.muli %add3A_216, %mul3A_217 : i32
        %add3A_219 = arith.addi %mul3A_2, %mul3A_218 : i32
        %dma_start3A_220 = tpu.memref_slice %arg2[%add3A_219] : memref<2048000xi32, #tpu.memory_space<hbm>> -> memref<640xi32, #tpu.memory_space<hbm>>
        %dma_start3A_221 = tpu.memref_slice %arg2[%add3A_219] : memref<2048000xi32, #tpu.memory_space<hbm>> -> memref<640xi32, #tpu.memory_space<hbm>>
        tpu.enqueue_dma source(%dma_start3A_221 : memref<640xi32, #tpu.memory_space<hbm>>) target(%arg9 : memref<640xi32, #tpu.memory_space<vmem>>) target_semaphore(%arg19 : memref<!tpu.dma_semaphore, #tpu.memory_space<semaphore_mem>>)
      } else {
      }
      %add3A_208 = arith.constant 3 : i32
      %add3A_209 = arith.addi %add3A_190, %add3A_208 : i32
      %lt3A_210 = arith.constant 100 : i32
      %lt3A_211 = arith.cmpi slt, %add3A_209, %lt3A_210 : i32
      %convert_element_type3A_212 = arith.extui %lt3A_211 : i1 to i32
      %cond3A_213 = arith.constant 0 : i32
      %cond3A_214 = arith.cmpi ne, %convert_element_type3A_212, %cond3A_213 : i32
      scf.if %cond3A_214 {
        %add3A_215 = arith.constant 3 : i32
        %add3A_216 = arith.addi %add3A_190, %add3A_215 : i32
        %mul3A_217 = arith.constant 640 : i32
        %mul3A_218 = arith.muli %add3A_216, %mul3A_217 : i32
        %add3A_219 = arith.addi %mul3A_2, %mul3A_218 : i32
        %dma_wait3A_220 = tpu.memref_slice %arg2[%add3A_219] : memref<2048000xi32, #tpu.memory_space<hbm>> -> memref<640xi32, #tpu.memory_space<hbm>>
        %dma_wait3A_221 = tpu.memref_slice %arg2[%add3A_219] : memref<2048000xi32, #tpu.memory_space<hbm>> -> memref<640xi32, #tpu.memory_space<hbm>>
        tpu.wait_dma2 semaphore(%arg17 : memref<!tpu.dma_semaphore, #tpu.memory_space<semaphore_mem>>) src(%dma_wait3A_221 : memref<640xi32, #tpu.memory_space<hbm>>) dst(%arg7 : memref<640xi32, #tpu.memory_space<vmem>>)
        %add3A_222 = arith.constant 3 : i32
        %add3A_223 = arith.addi %add3A_190, %add3A_222 : i32
        %ge3A = arith.constant 5 : i32
        %ge3A_224 = arith.cmpi sge, %add3A_223, %ge3A : i32
        %convert_element_type3A_225 = arith.extui %ge3A_224 : i1 to i32
        %cond3A_226 = arith.constant 0 : i32
        %cond3A_227 = arith.cmpi ne, %convert_element_type3A_225, %cond3A_226 : i32
        scf.if %cond3A_227 {
          %add3A_233 = arith.constant 3 : i32
          %add3A_234 = arith.addi %add3A_190, %add3A_233 : i32
          %sub3A = arith.constant 5 : i32
          %sub3A_235 = arith.subi %add3A_234, %sub3A : i32
          %mul3A_236 = arith.constant 640 : i32
          %mul3A_237 = arith.muli %sub3A_235, %mul3A_236 : i32
          %add3A_238 = arith.addi %mul3A_2, %mul3A_237 : i32
          %dma_wait3A_239 = arith.constant 0 : i32
          %dma_wait3A_240 = tpu.memref_slice %arg4[%add3A_238, %dma_wait3A_239] : memref<2048000x32xf32, #tpu.memory_space<hbm>> -> memref<640x32xf32, #tpu.memory_space<hbm>>
          %dma_wait3A_241 = arith.constant 0 : i32
          %dma_wait3A_242 = tpu.memref_slice %arg4[%add3A_238, %dma_wait3A_241] : memref<2048000x32xf32, #tpu.memory_space<hbm>> -> memref<640x32xf32, #tpu.memory_space<hbm>>
          tpu.wait_dma2 semaphore(%arg27 : memref<!tpu.dma_semaphore, #tpu.memory_space<semaphore_mem>>) src(%arg12 : memref<640x32xf32, #tpu.memory_space<vmem>>) dst(%dma_wait3A_242 : memref<640x32xf32, #tpu.memory_space<hbm>>)
        } else {
        }
        %add3A_228 = arith.constant 3 : i32
        %add3A_229 = arith.addi %add3A_190, %add3A_228 : i32
        %dma_start3A_230 = arith.constant 0 : i32
        %dma_start3A_231 = arith.constant 0 : i32
        %dma_start3A_232 = tpu.memref_slice %arg3[%dma_start3A_230, %dma_start3A_231] : memref<1000000x32xf32, #tpu.memory_space<hbm>> -> memref<1000000x32xf32, #tpu.memory_space<hbm>>
        tpu.enqueue_indirect_dma source(%dma_start3A_232 : memref<1000000x32xf32, #tpu.memory_space<hbm>>) target(%arg12 : memref<640x32xf32, #tpu.memory_space<vmem>>) offsets(%arg7 : memref<640xi32, #tpu.memory_space<vmem>>) semaphore(%arg20 : memref<!tpu.dma_semaphore, #tpu.memory_space<semaphore_mem>>)
      } else {
      }
    }
    %scan3A_46 = arith.constant 20 : i32
    %add3A_47 = arith.constant 60800 : i32
    %add3A_48 = arith.addi %mul3A_2, %add3A_47 : i32
    %dma_wait3A_49 = arith.constant 0 : i32
    %dma_wait3A_50 = tpu.memref_slice %arg4[%add3A_48, %dma_wait3A_49] : memref<2048000x32xf32, #tpu.memory_space<hbm>> -> memref<640x32xf32, #tpu.memory_space<hbm>>
    %dma_wait3A_51 = arith.constant 0 : i32
    %dma_wait3A_52 = tpu.memref_slice %arg4[%add3A_48, %dma_wait3A_51] : memref<2048000x32xf32, #tpu.memory_space<hbm>> -> memref<640x32xf32, #tpu.memory_space<hbm>>
    tpu.wait_dma2 semaphore(%arg25 : memref<!tpu.dma_semaphore, #tpu.memory_space<semaphore_mem>>) src(%arg10 : memref<640x32xf32, #tpu.memory_space<vmem>>) dst(%dma_wait3A_52 : memref<640x32xf32, #tpu.memory_space<hbm>>)
    %add3A_53 = arith.constant 61440 : i32
    %add3A_54 = arith.addi %mul3A_2, %add3A_53 : i32
    %dma_wait3A_55 = arith.constant 0 : i32
    %dma_wait3A_56 = tpu.memref_slice %arg4[%add3A_54, %dma_wait3A_55] : memref<2048000x32xf32, #tpu.memory_space<hbm>> -> memref<640x32xf32, #tpu.memory_space<hbm>>
    %dma_wait3A_57 = arith.constant 0 : i32
    %dma_wait3A_58 = tpu.memref_slice %arg4[%add3A_54, %dma_wait3A_57] : memref<2048000x32xf32, #tpu.memory_space<hbm>> -> memref<640x32xf32, #tpu.memory_space<hbm>>
    tpu.wait_dma2 semaphore(%arg26 : memref<!tpu.dma_semaphore, #tpu.memory_space<semaphore_mem>>) src(%arg11 : memref<640x32xf32, #tpu.memory_space<vmem>>) dst(%dma_wait3A_58 : memref<640x32xf32, #tpu.memory_space<hbm>>)
    %add3A_59 = arith.constant 62080 : i32
    %add3A_60 = arith.addi %mul3A_2, %add3A_59 : i32
    %dma_wait3A_61 = arith.constant 0 : i32
    %dma_wait3A_62 = tpu.memref_slice %arg4[%add3A_60, %dma_wait3A_61] : memref<2048000x32xf32, #tpu.memory_space<hbm>> -> memref<640x32xf32, #tpu.memory_space<hbm>>
    %dma_wait3A_63 = arith.constant 0 : i32
    %dma_wait3A_64 = tpu.memref_slice %arg4[%add3A_60, %dma_wait3A_63] : memref<2048000x32xf32, #tpu.memory_space<hbm>> -> memref<640x32xf32, #tpu.memory_space<hbm>>
    tpu.wait_dma2 semaphore(%arg27 : memref<!tpu.dma_semaphore, #tpu.memory_space<semaphore_mem>>) src(%arg12 : memref<640x32xf32, #tpu.memory_space<vmem>>) dst(%dma_wait3A_64 : memref<640x32xf32, #tpu.memory_space<hbm>>)
    %add3A_65 = arith.constant 62720 : i32
    %add3A_66 = arith.addi %mul3A_2, %add3A_65 : i32
    %dma_wait3A_67 = arith.constant 0 : i32
    %dma_wait3A_68 = tpu.memref_slice %arg4[%add3A_66, %dma_wait3A_67] : memref<2048000x32xf32, #tpu.memory_space<hbm>> -> memref<640x32xf32, #tpu.memory_space<hbm>>
    %dma_wait3A_69 = arith.constant 0 : i32
    %dma_wait3A_70 = tpu.memref_slice %arg4[%add3A_66, %dma_wait3A_69] : memref<2048000x32xf32, #tpu.memory_space<hbm>> -> memref<640x32xf32, #tpu.memory_space<hbm>>
    tpu.wait_dma2 semaphore(%arg28 : memref<!tpu.dma_semaphore, #tpu.memory_space<semaphore_mem>>) src(%arg13 : memref<640x32xf32, #tpu.memory_space<vmem>>) dst(%dma_wait3A_70 : memref<640x32xf32, #tpu.memory_space<hbm>>)
    %add3A_71 = arith.constant 63360 : i32
    %add3A_72 = arith.addi %mul3A_2, %add3A_71 : i32
    %dma_wait3A_73 = arith.constant 0 : i32
    %dma_wait3A_74 = tpu.memref_slice %arg4[%add3A_72, %dma_wait3A_73] : memref<2048000x32xf32, #tpu.memory_space<hbm>> -> memref<640x32xf32, #tpu.memory_space<hbm>>
    %dma_wait3A_75 = arith.constant 0 : i32
    %dma_wait3A_76 = tpu.memref_slice %arg4[%add3A_72, %dma_wait3A_75] : memref<2048000x32xf32, #tpu.memory_space<hbm>> -> memref<640x32xf32, #tpu.memory_space<hbm>>
    tpu.wait_dma2 semaphore(%arg29 : memref<!tpu.dma_semaphore, #tpu.memory_space<semaphore_mem>>) src(%arg14 : memref<640x32xf32, #tpu.memory_space<vmem>>) dst(%dma_wait3A_76 : memref<640x32xf32, #tpu.memory_space<hbm>>)
    return
  }
}

</mosaic_0001>

<sc_bundles>
// kernel: _sc_embed_gather.3.cloned.1.call-start
scs
__scs_entry_jumppad:
0x0: {  	(pc) =	sbr.rel $0x88, $3  }
0x1: {  	(tag) =	ssettag $0x0;
	lr =	simm.s32 $0x1  }
0x2: {  	[smem:$0x3F9F] =	sst lr;
	_ =	strace $0xD0000000  }
0x3: {  	_ = 	snop  }
0x4: {  	_ = 	snop  }
0x5: {  	_ = 	snop  }
0x6: {  	_ = 	snop  }
0x7: {  	_ = 	snop  }
__scs_overlays_trampoline_lowered:
0x8: {  	[smem:$0x3FAE] =	sst s0  }
0x9: {  	[smem:$0x3FAF] =	sst s1  }
0xa: {  	[smem:$0x3FB0] =	sst s2  }
0xb: {  	[smem:$0x3FB1] =	sst s3  }
0xc: {  	[smem:$0x3FB2] =	sst s4  }
0xd: {  	[smem:$0x3FB3] =	sst s5  }
0xe: {  	[smem:$0x3FB4] =	sst s6  }
0xf: {  	[smem:$0x3FB5] =	sst s7  }
0x10: {  	[smem:$0x3FB6] =	sst s8  }
0x11: {  	[smem:$0x3FB7] =	sst s9;
	s0 =	simm.s32 @!p0 $0x0  }
0x12: {  	s1 =	sld [smem:$0x3F9D];
	s0 =	simm.s32 @p0 $0x1  }
0x13: {  	[smem:$0x3FB8] =	sst s0;
	s0 =	simm.s32 @!p1 $0x0  }
0x14: {  	s2 =	sld [smem:$0x3F9C];
	s0 =	simm.s32 @p1 $0x1  }
0x15: {  	[smem:$0x3FB9] =	sst s0;
	s0 =	simm.s32 @!p2 $0x0  }
0x16: {  	s3 =	sld [smem:$0x3FDB];
	s0 =	simm.s32 @p2 $0x1  }
0x17: {  	s4 =	simm.s32 $0x1BF5;
	[smem:$0x3FBB] =	sst s0  }
0x18: {  	s0 =	sld [smem:$0x3F9E];
	_ =	swait.ge [sflag:s4], $0x0  }
0x19: {  	s7 =	sld [smem:$0x3F9F]  }
0x1a: {  	s8 =	sadd.s32 $0xFFFFE003, lr  }
0x1b: {  	s9 =	sadd.s32 $0xFFFFFEF7, lr;
	s5 =	simm.s32 $0xFFFFFFFF;
	p2 =	slt.u32 s8, $0xFFFFF086  }
0x1c: {  	p1 =	slt.u32 s9, $0xF7A;
	s5 =	simm.s32 @!p2 $0x0  }
0x1d: {  	s5 =	simm.s32 @p1 $0x1;
	p0 =	seq.s32 s7, s2  }
0x1e: {  	s7 =	smul.u32 @!p0 $0xF7A, s2;
	p2 =	seq.s32 @!p0 s5, $0x0  }
0x1f: {  	s9 =	smul.u32 $0xF7A, s1;
	s8 =	simm.s32 @!p0 $0x1BF5;
	p2 =	por !p2, p0  }
0x20: {  	[sflag:s8] =	ssyncset.s32 @!p0 $0xFFFFF086;
	s6 =	sadd.s32 @!p0 s3, s7;
	s7 =	simm.s32 @!p0 $0x108  }
0x21: {  	s3 =	sadd.s32 s3, s9;
	s6 =	sadd.s32 @!p0 $0x88, s6;
	s7 =	simm.s32 @p2 $0x1082  }
0x22: {  	[simem:s7], [sflag:s8] =	dma.local @!p0 [hbm:s6], $0xF7A  }
0x23: {  	s9 =	sor.u32 $0xD0000000, s2;
	s6 =	simm.s32 $0x108;
	_ =	swait.ge @!p0 [sflag:s8], $0x0  }
0x24: {  	s3 =	sadd.s32 $0x88, s3;
	s6 =	simm.s32 @!p1 $0x1082;
	[sflag:s4] =	ssyncset.s32 $0xFFFFF086  }
0x25: {  	[simem:s6], [sflag:s4] =	dma.local [hbm:s3], $0xF7A  }
0x26: {  	[smem:$0x3F9F] =	sst s1;
	(tag) =	ssettag s2;
	_ =	strace s9  }
0x27: {  	s1 =	sld [smem:$0x3FAF]  }
0x28: {  	s2 =	sld [smem:$0x3FB0]  }
0x29: {  	s4 =	sld [smem:$0x3FB2]  }
0x2a: {  	p0 =	seq.s32 s5, $0x0;
	s5 =	sld [smem:$0x3FB3]  }
0x2b: {  	s6 =	sld [smem:$0x3FB4]  }
0x2c: {  	s7 =	sld [smem:$0x3FB5]  }
0x2d: {  	s3 =	simm.s32 $0x108;
	s8 =	sld [smem:$0x3FB6]  }
0x2e: {  	s3 =	simm.s32 @!p0 $0x1082;
	s9 =	sld [smem:$0x3FB7]  }
0x2f: {  	lr =	sadd.s32 s0, s3;
	s0 =	sld [smem:$0x3FAE]  }
0x30: {  	s3 =	sld [smem:$0x3FB1]  }
0x31: {  	[smem:$0x3FBA] =	sst s10  }
0x32: {  	s10 =	sld [smem:$0x3FB8];
	_ =	sdelay $0x3  }
0x33: {  	p0 =	seq.s32 s10, $0x1;
	s10 =	sld [smem:$0x3FBA];
	_ =	sdelay $0x3  }
0x34: {  	[smem:$0x3FBA] =	sst s10  }
0x35: {  	s10 =	sld [smem:$0x3FB9];
	_ =	sdelay $0x3  }
0x36: {  	p1 =	seq.s32 s10, $0x1;
	s10 =	sld [smem:$0x3FBA];
	_ =	sdelay $0x3  }
0x37: {  	[smem:$0x3FBA] =	sst s10  }
0x38: {  	s10 =	sld [smem:$0x3FBB]  }
0x39: {  	_ = 	snop;
	(pc) =	sbr.ind lr, $3  }
0x3a: {  	_ = 	snop  }
0x3b: {  	_ = 	snop  }
0x3c: {  	p2 =	seq.s32 s10, $0x1;
	s10 =	sld [smem:$0x3FBA]  }
0x3d: {  	_ =	shalt  }
0x3e: {  	_ =	shalt  }
0x3f: {  	_ =	shalt  }
0x40: {  	_ =	shalt  }
0x41: {  	_ =	shalt  }
0x42: {  	_ =	shalt  }
0x43: {  	_ =	shalt  }
0x44: {  	_ =	shalt  }
0x45: {  	_ =	shalt  }
0x46: {  	_ =	shalt  }
0x47: {  	_ =	shalt  }
0x48: {  	_ =	shalt  }
0x49: {  	_ =	shalt  }
0x4a: {  	_ =	shalt  }
0x4b: {  	_ =	shalt  }
0x4c: {  	_ =	shalt  }
0x4d: {  	_ =	shalt  }
0x4e: {  	_ =	shalt  }
0x4f: {  	_ =	shalt  }
0x50: {  	_ =	shalt  }
0x51: {  	_ =	shalt  }
0x52: {  	_ =	shalt  }
0x53: {  	_ =	shalt  }
0x54: {  	_ =	shalt  }
0x55: {  	_ =	shalt  }
0x56: {  	_ =	shalt  }
0x57: {  	_ =	shalt  }
0x58: {  	_ =	shalt  }
0x59: {  	_ =	shalt  }
0x5a: {  	_ =	shalt  }
0x5b: {  	_ =	shalt  }
0x5c: {  	_ =	shalt  }
0x5d: {  	_ =	shalt  }
0x5e: {  	_ =	shalt  }
0x5f: {  	_ =	shalt  }
0x60: {  	_ =	shalt  }
0x61: {  	_ =	shalt  }
0x62: {  	_ =	shalt  }
0x63: {  	_ =	shalt  }
0x64: {  	_ =	shalt  }
0x65: {  	_ =	shalt  }
0x66: {  	_ =	shalt  }
0x67: {  	_ =	shalt  }
0x68: {  	_ =	shalt  }
0x69: {  	_ =	shalt  }
0x6a: {  	_ =	shalt  }
0x6b: {  	_ =	shalt  }
0x6c: {  	_ =	shalt  }
0x6d: {  	_ =	shalt  }
0x6e: {  	_ =	shalt  }
0x6f: {  	_ =	shalt  }
0x70: {  	_ =	shalt  }
0x71: {  	_ =	shalt  }
0x72: {  	_ =	shalt  }
0x73: {  	_ =	shalt  }
0x74: {  	_ =	shalt  }
0x75: {  	_ =	shalt  }
0x76: {  	_ =	shalt  }
0x77: {  	_ =	shalt  }
0x78: {  	_ =	shalt  }
0x79: {  	_ =	shalt  }
0x7a: {  	_ =	shalt  }
0x7b: {  	_ =	shalt  }
0x7c: {  	_ =	shalt  }
0x7d: {  	_ =	shalt  }
0x7e: {  	_ =	shalt  }
0x7f: {  	_ =	shalt  }
0x80: {  	_ =	shalt  }
0x81: {  	_ =	shalt  }
0x82: {  	_ =	shalt  }
0x83: {  	_ =	shalt  }
0x84: {  	_ =	shalt  }
0x85: {  	_ =	shalt  }
0x86: {  	_ =	shalt  }
0x87: {  	_ =	shalt  }
.Lfunc_end0:
.L_simem_size_0:
called_computation.1_lowered:
.L_overlay_start_0:
0x88: {  	s2 =	sld [smem:$0x3FD9]  }
0x89: {  	s3 =	sld [smem:$0x3FFE];
	_ =	sdelay $0x1  }
0x8a: {  	s1 =	srdreg.scid  }
0x8b: {  	s0 =	sand.u32 $0x1, s1  }
0x8c: {  	s17 =	sshll.u32 s0, $0xA;
	s2 =	sadd.s32 s3, s2  }
0x8d: {  	s2 =	sadd.s32 s2, s17  }
0x8e: {  	[smem:$0x3FC6] =	sst s2  }
0x8f: {  	_ = 	snop  }
0x90: {  	s2 =	sld [smem:$0x3FC9]  }
0x91: {  	s18 =	sld [smem:$0x3FD0];
	(tm) =	ssettm $0x1  }
0x92: {  	s4 =	sld [smem:$0x3FFB];
	_ =	sdelay $0x3  }
0x93: {  	_ =	strace s4  }
0x94: {  	s4 =	sld [smem:$0x3FFC];
	_ =	sdelay $0x3  }
0x95: {  	_ =	strace s4  }
0x96: {  	s4 =	sld [smem:$0x3FFD];
	_ =	sdelay $0x3  }
0x97: {  	_ =	strace s4  }
0x98: {  	_ =	strace $0x8FFFFFFF  }
0x99: {  	s19 =	sld [smem:$0x3FDB];
	_ =	sdelay $0x1  }
0x9a: {  	s5 =	simm.s32 $_scs_section_size  }
0x9b: {  	s6 =	simm.s32 $_size__tile_overlayer_lowered;
	s7 =	simm.s32 $_tile_overlayer_lowered  }
0x9c: {  	s22 =	simm.s32 $0x1BFF;
	s21 =	sshll.u32 s7, $0x1;
	s4 =	sadd.s32 s5, s19  }
0x9d: {  	s8 =	simm.s32 $0x0;
	s20 =	sshll.u32 s6, $0x1;
	s6 =	sadd.s32 s21, s4  }
0x9e: {  	[timem:s8], [sflag:s22] =	dma.local [hbm:s6], s20  }
0x9f: {  	_ =	swait.ge [sflag:s22], s20  }
0xa0: {  	s5 =	ssub.s32 $0x0, s20;
	[sflag:s22] =	ssyncset.done $0x0  }
0xa1: {  	[sflag:s22] =	ssyncadd.s32 s5;
	_ =	sdelay $0x1  }
0xa2: {  	s23 =	simm.s32 $0x1B8B  }
0xa3: {  	_ =	swait.ge [sflag:s23], $0x1  }
0xa4: {  	[sflag:s23] =	ssyncset.done $0x0  }
0xa5: {  	s25 =	simm.s32 $0x1B8E;
	s24 =	sld [smem:$0x3FFE];
	[sflag:s23] =	ssyncadd.s32 $0xFFFFFFFF  }
0xa6: {  	s26 =	simm.s32 $execute0_lowered;
	[smem:$0x3FD2] =	sst s25  }
0xa7: {  	s6 =	sshll.u32 s26, $0x1;
	_ =	strace $0x80000046;
	[dreg:$0x1] =	wrdreg $0xFFFFFFFF  }
0xa8: {  	s28 =	simm.s32 $_size_execute0_lowered;
	s4 =	sadd.s32 s4, s6;
	[dreg:$0x0] =	wrdreg $0x0  }
0xa9: {  	s6 =	sshll.u32 s28, $0x1;
	[dreg:$0x2] =	wrdreg s4  }
0xaa: {  	[dreg:$0x3] =	wrdreg s6  }
0xab: {  	[dreg:$0x4] =	wrdreg $0xC0  }
0xac: {  	_ =	task [dreg:s8], $0x5FFFF  }
0xad: {  	[dreg:$0x1] =	wrdreg $0xFFFFFFFF  }
0xae: {  	[dreg:$0x0] =	wrdreg $0x60  }
0xaf: {  	[dreg:$0x2] =	wrdreg s2  }
0xb0: {  	[dreg:$0x3] =	wrdreg s24  }
0xb1: {  	[dreg:$0x4] =	wrdreg s18  }
0xb2: {  	[dreg:$0x5] =	wrdreg $0x9  }
0xb3: {  	_ =	task.clear_ibuf [dreg:s8], $0x6FFFF;
	_ =	strace $0x90000046  }
0xb4: {  	s29 =	simm.s32 $0x9;
	_ =	strace $0x80000048  }
0xb5: {  	_ =	swait.ge [sflag:s29], $0x1  }
0xb6: {  	[sflag:s29] =	ssyncadd.s32 $0xFFFFFFFF  }
0xb7: {  	_ =	strace $0x90000048  }
0xb8: {  	_ =	sfence  }
0xb9: {  	s30 =	sld [smem:$0x0];
	_ =	sdelay $0x2  }
0xba: {  	s31 =	sshll.u32 s1, $0xD;
	s1 =	sshrl.u32 s1, $0x2  }
0xbb: {  	s3 =	sand.u32 $0x4000, s31;
	s1 =	sadd.s32 s1, s30  }
0xbc: {  	s0 =	sor.u32 s3, s0;
	s1 =	sshll.u32 s1, $0x11  }
0xbd: {  	s0 =	sor.u32 s1, s0  }
0xbe: {  	s0 =	sadd.s32 $0x8F2B, s0  }
0xbf: {  	[sflag:s0] =	ssyncadd.remote.s32 $0x1  }
0xc0: {  	_ =	sfence.sel $0xFFFF  }
0xc1: {  	[dreg:$0x0] =	wrdreg $0xFFFFFFFF;
	(pc) =	sbr.abs _section_cstart, $3  }
0xc2: {  	[dreg:$0x1] =	wrdreg $0xFFFFFFFF  }
0xc3: {  	_ =	task.clear_ibuf [dreg:s8], $0x2FFFF;
	_ =	strace $0x9FFFFFFF  }
0xc4: {  	(tm) =	ssettm $0x7FFFFFFF  }
0xc5: {  	_ =	shalt  }
tec
execute0_lowered:
.L_overlay_start_1:
0x0: {  	(tag) =	ssettag $0x1  }
0x1: {  	s9 =	rddreg [dreg:$0x0]  }
0x2: {  	s0 =	rddreg [dreg:$0x1];
	s2 =	srdreg.scid  }
0x3: {  	s1 =	stileid.u32;
	s5 =	rddreg [dreg:$0x2]  }
0x4: {  	s3 =	simm.s32 $0x0;
	s28 =	simm.s32 $0x2;
	s29 =	simm.s32 $0x5C80  }
0x5: {  	s30 =	simm.s32 $0x3;
	s31 =	simm.s32 $0xAC80;
	s23 =	smul.u32 $0x1F400, s1  }
0x6: {  	s2 =	sand.u32 $0x1, s2;
	s4 =	sshll.u32 s1, $0x1;
	s12 =	smul.u32 $0x7D000, s1  }
0x7: {  	[smem:$0x7FF] =	sst s3;
	s6 =	sor.u32 s2, s4;
	s25 =	smul.u32 $0xFA00, s2  }
0x8: {  	_ =	strace $0x80000047;
	s22 =	ssub.s32 $0x2, s2;
	s2 =	smul.u32 $0x3E800, s2  }
0x9: {  	s4 =	sadd.s32 $0xF42C00, s0;
	s7 =	smul.u32 $0xFA00, s6;
	s8 =	sshrl.u32 s22, $0x1  }
0xa: {  	s6 =	smul.u32 $0x3E800, s6;
	s16 =	sadd.s32 s12, s5;
	s0 =	ssub.s32 s22, s8  }
0xb: {  	s12 =	simm.s32 $0x9;
	s7 =	sshrl.u32 s7, $0x3;
	s0 =	smax.u32 s0, $0x1  }
0xc: {  	s6 =	sadd.s32 s5, s6;
	s10 =	sadd.s32 s9, s7;
	[dreg:$0x9] =	wrdreg s0  }
0xd: {  	s8 =	simm.s32 $0xB;
	s13 =	sadd.s32 $0x3DE00, s6;
	[dreg:$0x4] =	wrdreg s10  }
0xe: {  	s6 =	simm.s32 $0xFC80;
	s24 =	sadd.s32 $0x50, s10;
	[dreg:$0xa] =	wrdreg s13  }
0xf: {  	s11 =	sadd.s32 $0xA0, s10;
	s26 =	sadd.s32 $0xF0, s10;
	[dreg:$0x5] =	wrdreg s24  }
0x10: {  	s10 =	sadd.s32 $0x140, s10;
	s13 =	sadd.s32 s2, s16;
	[dreg:$0x6] =	wrdreg s11  }
0x11: {  	s2 =	simm.s32 $0x6;
	[dreg:$0x7] =	wrdreg s26;
	s11 =	sadd.s32 s25, s23  }
0x12: {  	[dreg:$0x8] =	wrdreg s10;
	s7 =	sadd.s32 $0x1680, s11;
	s17 =	sadd.s32 $0x1400, s11  }
0x13: {  	s19 =	sshll.u32 s11, $0x2;
	s22 =	sadd.s32 $0x1180, s11;
	s23 =	sadd.s32 $0xF00, s11  }
0x14: {  	s0 =	sadd.s32 $0xC80, s11;
	s11 =	simm.s32 $0x8;
	s14 =	sshrl.u32 s7, $0x3  }
0x15: {  	s18 =	sshrl.u32 s17, $0x3;
	s21 =	sadd.s32 s5, s19;
	s5 =	sshrl.u32 s22, $0x3  }
0x16: {  	s25 =	sshrl.u32 s23, $0x3;
	[dreg:$0xf] =	wrdreg s0;
	s23 =	simm.s32 $0x780  }
0x17: {  	s0 =	simm.s32 $0x4;
	s7 =	simm.s32 $0x5;
	s15 =	sadd.s32 s14, s9  }
.Ltmp0:
0x18: {  	s20 =	sadd.s32 s18, s9;
	s24 =	sadd.s32 s5, s9;
	(pc) =	sbr.rel .LBB2_1-.Ltmp0, $4  }
0x19: {  	s17 =	sadd.s32 $0x1400, s21;
	s26 =	sadd.s32 s25, s9;
	[dreg:$0xb] =	wrdreg s15  }
0x1a: {  	s19 =	sadd.s32 $0xA00, s21;
	s9 =	simm.s32 $0x14C80;
	[dreg:$0xc] =	wrdreg s20  }
0x1b: {  	s5 =	simm.s32 $0x0;
	s15 =	sadd.s32 $0x1E00, s21;
	[dreg:$0xd] =	wrdreg s24  }
0x1c: {  	[dreg:$0xe] =	wrdreg s26;
	s21 =	simm.s32 $0x280;
	s24 =	simm.s32 $0xA00  }
.LBB2_8:
0x1d: {  	_ =	swait.ge [sflag:s2], $0x5000  }
0x1e: {  	[sflag:s2] =	ssyncset.done $0x0  }
0x1f: {  	s22 =	simm.s32 $0x7;
	s1 =	rddreg [dreg:$0xa];
	[sflag:s2] =	ssyncadd.s32 $0xFFFFB000  }
0x20: {  	[hbm4b:s1+s3] =	stream.linear.scatter [tilespmem:s9], [sflag:$0xB], $0x5000, $0x38;
	[tilespmem:$0x19C80] =	vst v63  }
0x21: {  	_ =	swait.ge [sflag:s22], $0x5000  }
0x22: {  	[sflag:s22] =	ssyncset.done $0x0  }
0x23: {  	[sflag:s22] =	ssyncadd.s32 $0xFFFFB000  }
0x24: {  	_ =	swait.ge [sflag:s11], $0x5000  }
0x25: {  	[sflag:s11] =	ssyncset.done $0x0  }
0x26: {  	[sflag:s11] =	ssyncadd.s32 $0xFFFFB000  }
0x27: {  	_ =	swait.ge [sflag:s12], $0x5000  }
0x28: {  	[sflag:s12] =	ssyncset.done $0x0  }
0x29: {  	s25 =	simm.s32 $0xA;
	[sflag:s12] =	ssyncadd.s32 $0xFFFFB000  }
0x2a: {  	_ =	swait.ge [sflag:s25], $0x5000  }
0x2b: {  	[sflag:s25] =	ssyncset.done $0x0  }
0x2c: {  	[sflag:s25] =	ssyncadd.s32 $0xFFFFB000  }
0x2d: {  	_ =	swait.ge [sflag:s8], $0x5000  }
0x2e: {  	s5 =	rddreg [dreg:$0x10]  }
0x2f: {  	s26 =	rddreg [dreg:$0x9];
	s5 =	sadd.s32 $0x1, s5  }
0x30: {  	p0 =	sne.s32 s5, s26  }
.Ltmp1:
0x31: {  	_ = 	snop;
	(pc) =	sbr.rel @!p0 .LBB2_9-.Ltmp1, $3  }
0x32: {  	_ =	sdelay $0x1  }
0x33: {  	[sflag:s8] =	ssyncset.done $0x0  }
0x34: {  	[sflag:s8] =	ssyncadd.s32 $0xFFFFB000  }
.LBB2_1:
0x35: {  	[dreg:$0x10] =	wrdreg s5  }
0x36: {  	s1 =	rddreg [dreg:$0x4]  }
0x37: {  	[tilespmem:s3], [sflag:$0x1] =	stream.linear.gather [hbm4b:s1+s3], $0x280, $0x38;
	[tilespmem:$0x19C80] =	vst v63  }
0x38: {  	s14 =	rddreg [dreg:$0x5]  }
0x39: {  	[tilespmem:s21], [sflag:$0x2] =	stream.linear.gather [hbm4b:s14+s3], $0x280, $0x38;
	[tilespmem:$0x19C80] =	vst v63  }
0x3a: {  	s16 =	rddreg [dreg:$0x6];
	s18 =	simm.s32 $0x500  }
0x3b: {  	[tilespmem:s18], [sflag:$0x3] =	stream.linear.gather [hbm4b:s16+s3], $0x280, $0x38;
	[tilespmem:$0x19C80] =	vst v63  }
0x3c: {  	s20 =	rddreg [dreg:$0x7]  }
0x3d: {  	[tilespmem:s23], [sflag:$0x4] =	stream.linear.gather [hbm4b:s20+s3], $0x280, $0x38;
	[tilespmem:$0x19C80] =	vst v63  }
0x3e: {  	s22 =	rddreg [dreg:$0x8];
	s25 =	simm.s32 $0x1  }
0x3f: {  	[tilespmem:s24], [sflag:$0x5] =	stream.linear.gather [hbm4b:s22+s3], $0x280, $0x38;
	[tilespmem:$0x19C80] =	vst v63  }
0x40: {  	_ =	swait.ge [sflag:s25], $0x280  }
0x41: {  	[sflag:s25] =	ssyncset.done $0x0  }
0x42: {  	s26 =	simm.s32 $0xC80;
	[sflag:s25] =	ssyncadd.s32 $0xFFFFFD80  }
0x43: {  	[tilespmem:s26], [sflag:$0x6] =	stream.indirect.gather [hbm4b:s4+s21], $0x20, s3, s21, $0xb8;
	[tilespmem:$0x19C80] =	vst v63  }
0x44: {  	_ =	swait.ge [sflag:s28], $0x280  }
0x45: {  	[sflag:s28] =	ssyncset.done $0x0  }
0x46: {  	[sflag:s28] =	ssyncadd.s32 $0xFFFFFD80  }
0x47: {  	[tilespmem:s29], [sflag:$0x6] =	stream.indirect.gather [hbm4b:s4+s21], $0x20, s21, s21, $0xb8;
	[tilespmem:$0x19C80] =	vst v63  }
0x48: {  	_ =	swait.ge [sflag:s30], $0x280  }
0x49: {  	s20 =	rddreg [dreg:$0xf]  }
0x4a: {  	s16 =	rddreg [dreg:$0xd]  }
0x4b: {  	[sflag:s30] =	ssyncset.done $0x0;
	s25 =	rddreg [dreg:$0xc]  }
0x4c: {  	s5 =	rddreg [dreg:$0xb];
	[sflag:s30] =	ssyncadd.s32 $0xFFFFFD80  }
0x4d: {  	[tilespmem:s31], [sflag:$0x6] =	stream.indirect.gather [hbm4b:s4+s21], $0x20, s18, s21, $0xb8;
	[tilespmem:$0x19C80] =	vst v63  }
0x4e: {  	s10 =	simm.s32 $0x0;
	s18 =	rddreg [dreg:$0xe]  }
.LBB2_2:
0x4f: {  	_ =	swait.ge [sflag:s2], $0x5000  }
0x50: {  	s14 =	sadd.s32 s10, s13;
	[sflag:s2] =	ssyncset.done $0x0  }
0x51: {  	s1 =	simm.s32 $0xC80;
	p0 =	seq.s32 s10, $0x3B600;
	[sflag:s2] =	ssyncadd.s32 $0xFFFFB000  }
0x52: {  	[hbm4b:s14+s3] =	stream.linear.scatter [tilespmem:s1], [sflag:$0x7], $0x5000, $0x38;
	[tilespmem:$0x19C80] =	vst v63  }
0x53: {  	s1 =	sshrl.u32 @!p0 s20, $0x3;
	s22 =	rddreg [dreg:$0x0]  }
0x54: {  	s1 =	sadd.s32 @!p0 s22, s1;
	s22 =	simm.s32 @!p0 $0x0  }
0x55: {  	[tilespmem:s22], [sflag:$0x1] =	stream.linear.gather @!p0 [hbm4b:s1+s22], $0x280, $0x38;
	[tilespmem:$0x19C80] =	vst v63  }
0x56: {  	_ =	swait.ge [sflag:s0], $0x280  }
0x57: {  	p1 =	seq.s32 s10, $0x0;
	[sflag:s0] =	ssyncset.done $0x0  }
0x58: {  	s1 =	simm.s32 @!p1 $0xA;
	[sflag:s0] =	ssyncadd.s32 $0xFFFFFD80  }
0x59: {  	_ =	swait.ge @!p1 [sflag:s1], $0x5000  }
0x5a: {  	[sflag:s1] =	ssyncset.done @!p1 $0x0  }
0x5b: {  	p2 =	sne.s32 s10, $0x3B600;
	[sflag:s1] =	ssyncadd.s32 @!p1 $0xFFFFB000  }
0x5c: {  	[tilespmem:s6], [sflag:$0x6] =	stream.indirect.gather [hbm4b:s4+s21], $0x20, s23, s21, $0xb8;
	[tilespmem:$0x19C80] =	vst v63  }
.Ltmp2:
0x5d: {  	_ = 	snop;
	(pc) =	sbr.rel @p2 .LBB2_4-.Ltmp2, $4  }
0x5e: {  	_ =	swait.ge [sflag:s2], $0x5000  }
0x5f: {  	[sflag:s2] =	ssyncset.done $0x0  }
0x60: {  	s26 =	sadd.s32 s10, s19;
	[sflag:s2] =	ssyncadd.s32 $0xFFFFB000  }
0x61: {  	[hbm4b:s26+s3] =	stream.linear.scatter [tilespmem:s29], [sflag:$0x8], $0x5000, $0x38;
	[tilespmem:$0x19C80] =	vst v63  }
.Ltmp3:
0x62: {  	(pc) =	sbr.rel .LBB2_5-.Ltmp3, $4  }
0x63: {  	_ = 	snop  }
0x64: {  	_ =	swait.ge [sflag:s7], $0x280  }
0x65: {  	[sflag:s7] =	ssyncset.done $0x0  }
0x66: {  	[sflag:s7] =	ssyncadd.s32 $0xFFFFFD80  }
.LBB2_4:
.Ltmp4:
0x67: {  	(pc) =	sbr.rel @p1 .LBB2_6-.Ltmp4, $4  }
0x68: {  	[tilespmem:s21], [sflag:$0x2] =	stream.linear.gather [hbm4b:s18+s3], $0x280, $0x38;
	[tilespmem:$0x19C80] =	vst v63  }
0x69: {  	_ =	swait.ge [sflag:s7], $0x280  }
0x6a: {  	[sflag:s7] =	ssyncset.done $0x0  }
0x6b: {  	[sflag:s7] =	ssyncadd.s32 $0xFFFFFD80  }
.LBB2_5:
0x6c: {  	_ =	swait.ge [sflag:s8], $0x5000  }
0x6d: {  	[sflag:s8] =	ssyncset.done $0x0  }
0x6e: {  	[sflag:s8] =	ssyncadd.s32 $0xFFFFB000  }
.LBB2_6:
0x6f: {  	[tilespmem:s9], [sflag:$0x6] =	stream.indirect.gather [hbm4b:s4+s21], $0x20, s24, s21, $0xb8;
	[tilespmem:$0x19C80] =	vst v63  }
0x70: {  	_ =	swait.ge [sflag:s2], $0x5000  }
0x71: {  	[sflag:s2] =	ssyncset.done $0x0  }
0x72: {  	s1 =	sadd.s32 s10, s17;
	[sflag:s2] =	ssyncadd.s32 $0xFFFFB000  }
0x73: {  	[hbm4b:s1+s3] =	stream.linear.scatter [tilespmem:s31], [sflag:$0x9], $0x5000, $0x38;
	[tilespmem:$0x19C80] =	vst v63  }
0x74: {  	s22 =	simm.s32 @!p0 $0x500;
	s1 =	simm.s32 @!p0 $0x0  }
0x75: {  	[tilespmem:s22], [sflag:$0x3] =	stream.linear.gather @!p0 [hbm4b:s16+s1], $0x280, $0x38;
	[tilespmem:$0x19C80] =	vst v63  }
0x76: {  	s22 =	simm.s32 @!p0 $0x1  }
0x77: {  	_ =	swait.ge @!p0 [sflag:s22], $0x280  }
0x78: {  	[sflag:s22] =	ssyncset.done @!p0 $0x0  }
0x79: {  	[sflag:s22] =	ssyncadd.s32 @!p0 $0xFFFFFD80;
	s22 =	simm.s32 @!p0 $0x7  }
0x7a: {  	_ =	swait.ge @!p0 [sflag:s22], $0x5000  }
0x7b: {  	[sflag:s22] =	ssyncset.done @!p0 $0x0  }
0x7c: {  	s26 =	simm.s32 @!p0 $0xC80;
	[sflag:s22] =	ssyncadd.s32 @!p0 $0xFFFFB000;
	s22 =	simm.s32 @!p0 $0x280  }
0x7d: {  	[tilespmem:s26], [sflag:$0x6] =	stream.indirect.gather @!p0 [hbm4b:s4+s22], $0x20, s1, s22, $0xb8;
	[tilespmem:$0x19C80] =	vst v63  }
.Ltmp5:
0x7e: {  	_ = 	snop;
	(pc) =	sbr.rel @p0 .LBB2_8-.Ltmp5, $4  }
0x7f: {  	_ =	swait.ge [sflag:s2], $0x5000  }
0x80: {  	[sflag:s2] =	ssyncset.done $0x0  }
0x81: {  	s26 =	sadd.s32 s10, s15;
	[sflag:s2] =	ssyncadd.s32 $0xFFFFB000  }
0x82: {  	[hbm4b:s26+s3] =	stream.linear.scatter [tilespmem:s6], [sflag:$0xA], $0x5000, $0x38;
	[tilespmem:$0x19C80] =	vst v63  }
0x83: {  	[tilespmem:s23], [sflag:$0x4] =	stream.linear.gather [hbm4b:s25+s3], $0x280, $0x38;
	[tilespmem:$0x19C80] =	vst v63  }
0x84: {  	_ =	swait.ge [sflag:s28], $0x280  }
0x85: {  	[sflag:s28] =	ssyncset.done $0x0  }
0x86: {  	[sflag:s28] =	ssyncadd.s32 $0xFFFFFD80  }
0x87: {  	_ =	swait.ge [sflag:s11], $0x5000  }
0x88: {  	[sflag:s11] =	ssyncset.done $0x0  }
0x89: {  	[sflag:s11] =	ssyncadd.s32 $0xFFFFB000  }
0x8a: {  	[tilespmem:s29], [sflag:$0x6] =	stream.indirect.gather [hbm4b:s4+s21], $0x20, s21, s21, $0xb8;
	[tilespmem:$0x19C80] =	vst v63  }
0x8b: {  	_ =	swait.ge [sflag:s2], $0x5000  }
0x8c: {  	[sflag:s2] =	ssyncset.done $0x0  }
0x8d: {  	s1 =	sadd.s32 $0x2800, s14;
	[sflag:s2] =	ssyncadd.s32 $0xFFFFB000  }
0x8e: {  	[hbm4b:s1+s3] =	stream.linear.scatter [tilespmem:s9], [sflag:$0xB], $0x5000, $0x38;
	[tilespmem:$0x19C80] =	vst v63  }
0x8f: {  	_ = 	snop  }
0x90: {  	[tilespmem:s24], [sflag:$0x5] =	stream.linear.gather [hbm4b:s5+s3], $0x280, $0x38;
	[tilespmem:$0x19C80] =	vst v63  }
0x91: {  	_ =	swait.ge [sflag:s30], $0x280  }
0x92: {  	[sflag:s30] =	ssyncset.done $0x0  }
.Ltmp6:
0x93: {  	s26 =	simm.s32 $0x500;
	[sflag:s30] =	ssyncadd.s32 $0xFFFFFD80;
	(pc) =	sbr.rel .LBB2_2-.Ltmp6, $4  }
0x94: {  	s10 =	sadd.s32 $0x3200, s10;
	s25 =	sadd.s32 $0x190, s25;
	_ =	swait.ge [sflag:s12], $0x5000  }
0x95: {  	s16 =	sadd.s32 $0x190, s16;
	s18 =	sadd.s32 $0x190, s18;
	[sflag:s12] =	ssyncset.done $0x0  }
0x96: {  	s20 =	sadd.s32 $0xC80, s20;
	s5 =	sadd.s32 $0x190, s5;
	[sflag:s12] =	ssyncadd.s32 $0xFFFFB000  }
0x97: {  	[tilespmem:s31], [sflag:$0x6] =	stream.indirect.gather [hbm4b:s4+s21], $0x20, s26, s21, $0xb8;
	[tilespmem:$0x19C80] =	vst v63  }
.LBB2_9:
0x98: {  	_ =	sfence.sel $0x180000  }
0x99: {  	[bflag:$0x0] =	sbarrier.arrive $0xFFFF  }
0x9a: {  	_ =	strace $0x90000047  }
0x9b: {  	s0 =	stileid.u32;
	[bflag:$0x2] =	sbarrier.arrive $0xFFFF  }
0x9c: {  	p0 =	sne.s32 s0, $0x0;
	s0 =	rddreg [dreg:$0x3]  }
0x9d: {  	s0 =	sadd.s32 @!p0 $0x100000, s0  }
0x9e: {  	[sflag:s0] =	ssyncadd.tile.s32 @!p0 $0x1;
	_ =	shalt  }
.Lfunc_end2:
_tile_overlayer_lowered:
.L_overlay_start_2:
0x9f: {  	(tag) =	ssettag $0x2  }
0xa0: {  	s0 =	rddreg [dreg:$0x0];
	s2 =	stileid.u32  }
0xa1: {  	s1 =	rddreg [dreg:$0x1];
	p0 =	sne.s32 s2, $0x0  }
0xa2: {  	s3 =	rddreg [dreg:$0x2];
	[bflag:$0x3] =	sbarrier.arrive $0xFFFF;
	s2 =	simm.s32 @!p0 $0x1C0C  }
0xa3: {  	[timem:s3], [sflag:s2] =	dma.local @!p0 [hbm:s0], s1  }
0xa4: {  	s0 =	simm.s32 @!p0 $0xC  }
0xa5: {  	_ =	swait.ge @!p0 [sflag:s0], s1  }
0xa6: {  	s1 =	ssub.s32 @!p0 $0x0, s1;
	[sflag:s0] =	ssyncset.done @!p0 $0x0  }
0xa7: {  	[sflag:s0] =	ssyncadd.s32 @!p0 s1  }
0xa8: {  	[bflag:$0x3] =	sbarrier.arrive $0xFFFF  }
0xa9: {  	_ =	shalt  }

// kernel: sparse-core-data-format-call.cloned.1.call-start
scs
called_computation_lowered:
.L_overlay_start_0:
0x0: {  	s2 =	sld [smem:$0x3FD9]  }
0x1: {  	s3 =	sld [smem:$0x3FFE];
	_ =	sdelay $0x1  }
0x2: {  	s1 =	srdreg.scid  }
0x3: {  	s0 =	sand.u32 $0x1, s1  }
0x4: {  	s18 =	sshll.u32 s0, $0xA;
	s2 =	sadd.s32 s3, s2  }
0x5: {  	s2 =	sadd.s32 s2, s18  }
0x6: {  	[smem:$0x3FC6] =	sst s2  }
0x7: {  	_ = 	snop  }
0x8: {  	s2 =	sld [smem:$0x3FD0];
	(tm) =	ssettm $0x1  }
0x9: {  	s19 =	sld [smem:$0x3FFB];
	_ =	sdelay $0x3  }
0xa: {  	_ =	strace s19  }
0xb: {  	s3 =	sld [smem:$0x3FFC];
	_ =	sdelay $0x3  }
0xc: {  	_ =	strace s3  }
0xd: {  	s3 =	sld [smem:$0x3FFD];
	_ =	sdelay $0x3  }
0xe: {  	_ =	strace s3  }
0xf: {  	_ =	strace $0x8FFFFFFF  }
0x10: {  	s20 =	sld [smem:$0x3FDB];
	_ =	sdelay $0x1  }
0x11: {  	s4 =	simm.s32 $_scs_section_size  }
0x12: {  	s5 =	simm.s32 $_size__tile_overlayer_lowered;
	s6 =	simm.s32 $_tile_overlayer_lowered  }
0x13: {  	s23 =	simm.s32 $0x1BFF;
	s22 =	sshll.u32 s6, $0x1;
	s3 =	sadd.s32 s4, s20  }
0x14: {  	s7 =	simm.s32 $0x0;
	s21 =	sshll.u32 s5, $0x1;
	s5 =	sadd.s32 s22, s3  }
0x15: {  	[timem:s7], [sflag:s23] =	dma.local [hbm:s5], s21  }
0x16: {  	_ =	swait.ge [sflag:s23], s21  }
0x17: {  	s4 =	ssub.s32 $0x0, s21;
	[sflag:s23] =	ssyncset.done $0x0  }
0x18: {  	[sflag:s23] =	ssyncadd.s32 s4;
	_ =	sdelay $0x1  }
0x19: {  	s24 =	simm.s32 $0x1B8B  }
0x1a: {  	_ =	swait.ge [sflag:s24], $0x1  }
0x1b: {  	[sflag:s24] =	ssyncset.done $0x0  }
0x1c: {  	s26 =	simm.s32 $0x1B8E;
	s25 =	sld [smem:$0x3FFE];
	[sflag:s24] =	ssyncadd.s32 $0xFFFFFFFF  }
0x1d: {  	s27 =	simm.s32 $execute0_lowered;
	[smem:$0x3FD2] =	sst s26  }
0x1e: {  	s5 =	sshll.u32 s27, $0x1;
	_ =	strace $0x80000049;
	[dreg:$0x1] =	wrdreg $0xFFFFFFFF  }
0x1f: {  	s28 =	simm.s32 $_size_execute0_lowered;
	s3 =	sadd.s32 s3, s5;
	[dreg:$0x0] =	wrdreg $0x0  }
0x20: {  	s5 =	sshll.u32 s28, $0x1;
	[dreg:$0x2] =	wrdreg s3  }
0x21: {  	[dreg:$0x3] =	wrdreg s5  }
0x22: {  	[dreg:$0x4] =	wrdreg $0xC0  }
0x23: {  	_ =	task [dreg:s7], $0x5FFFF  }
0x24: {  	[dreg:$0x1] =	wrdreg $0xFFFFFFFF  }
0x25: {  	[dreg:$0x0] =	wrdreg $0x60  }
0x26: {  	[dreg:$0x2] =	wrdreg s25  }
0x27: {  	[dreg:$0x3] =	wrdreg s2  }
0x28: {  	[dreg:$0x4] =	wrdreg $0x9  }
0x29: {  	_ =	task.clear_ibuf [dreg:s7], $0x5FFFF;
	_ =	strace $0x90000049  }
0x2a: {  	s29 =	simm.s32 $0x9;
	_ =	strace $0x8000004B  }
0x2b: {  	_ =	swait.ge [sflag:s29], $0x1  }
0x2c: {  	[sflag:s29] =	ssyncadd.s32 $0xFFFFFFFF  }
0x2d: {  	_ =	strace $0x9000004B  }
0x2e: {  	_ =	sfence  }
0x2f: {  	s30 =	sld [smem:$0x0];
	_ =	sdelay $0x2  }
0x30: {  	s31 =	sshll.u32 s1, $0xD;
	s1 =	sshrl.u32 s1, $0x2  }
0x31: {  	s3 =	sand.u32 $0x4000, s31;
	s1 =	sadd.s32 s1, s30  }
0x32: {  	s0 =	sor.u32 s3, s0;
	s1 =	sshll.u32 s1, $0x11  }
0x33: {  	s0 =	sor.u32 s1, s0  }
0x34: {  	s0 =	sadd.s32 $0x8F2B, s0  }
0x35: {  	[sflag:s0] =	ssyncadd.remote.s32 $0x1  }
0x36: {  	_ =	sfence.sel $0xFFFF  }
0x37: {  	[dreg:$0x0] =	wrdreg $0xFFFFFFFF;
	(pc) =	sbr.abs _section_cstart, $3  }
0x38: {  	[dreg:$0x1] =	wrdreg $0xFFFFFFFF  }
0x39: {  	_ =	task.clear_ibuf [dreg:s7], $0x2FFFF;
	_ =	strace $0x9FFFFFFF  }
0x3a: {  	(tm) =	ssettm $0x7FFFFFFF  }
0x3b: {  	_ =	shalt  }
tec
execute0_lowered:
.L_overlay_start_1:
0x0: {  	(tag) =	ssettag $0x1  }
0x1: {  	s0 =	srdreg.scid  }
0x2: {  	s1 =	sshll.u32 s0, $0x4  }
0x3: {  	s4 =	rddreg [dreg:$0x0];
	s0 =	stileid.u32;
	s1 =	sand.u32 $0x10, s1  }
0x4: {  	s2 =	rddreg [dreg:$0x1];
	s7 =	simm.s32 $0x1;
	s1 =	sor.u32 s0, s1  }
0x5: {  	s8 =	simm.s32 $0x2;
	s11 =	simm.s32 $0x0;
	s3 =	sshll.u32 s1, $0x7  }
0x6: {  	s10 =	simm.s32 $0x0;
	s4 =	sadd.s32 $0x800, s4;
	s6 =	ssub.s32 $0x1F4000, s3  }
.Ltmp0:
0x7: {  	s1 =	rddreg [dreg:$0x2];
	s5 =	sand.u32 $0xF80, s6;
	(pc) =	sbr.rel .LBB1_1-.Ltmp0, $4  }
0x8: {  	_ =	strace $0x8000004A;
	s9 =	smov.u32 s3;
	p0 =	sne.s32 s5, $0x0  }
0x9: {  	s6 =	sshrl.u32 s6, $0xC;
	s5 =	simm.s32 $0x1;
	s7 =	simm.s32 @!p0 $0x0  }
0xa: {  	[sflag:s5] =	ssyncpa.u1 $0x0;
	p0 =	por $0x0, $0x0;
	s6 =	sadd.s32 s7, s6  }
0xb: {  	[sflag:s8] =	ssyncpa.u1 $0x0;
	s8 =	simm.s32 $0xFA0000;
	s7 =	sadd.s32 $0x1, s6  }
.LBB1_4:
0xc: {  	s14 =	sshll.u32 s11, $0x3  }
0xd: {  	s30 =	sand.u32 $0x7F, s11;
	s15 =	sand.u32 $0xFFFFFC00, s14  }
0xe: {  	s11 =	sor.u32 s30, s15  }
0xf: {  	s15 =	smulhi.u32 $0x10624DD3, s11  }
0x10: {  	s14 =	smulhi.u32 $0x10624DD3, s14  }
0x11: {  	s15 =	sshrl.u32 s15, $0x11  }
0x12: {  	s14 =	sshrl.u32 s14, $0x11;
	s15 =	smul.u32 $0x1F4000, s15  }
0x13: {  	s14 =	sand.u32 $0x1F, s14  }
0x14: {  	s14 =	smul.u32 $0x3E800, s14;
	s11 =	ssub.s32 s11, s15  }
0x15: {  	s15 =	sand.u32 $0x7, s11  }
0x16: {  	s14 =	sadd.s32 s2, s14;
	s11 =	sshrl.u32 s11, $0x3;
	s15 =	sshll.u32 s15, $0x12  }
0x17: {  	[tilespmem:s13+$0x0 ss:$0x81] =	vst.msk $0xffff, v0;
	s11 =	sadd.s32 s11, s14;
	s31 =	sor.u32 $0x400, s15  }
0x18: {  	[hbm4b:s11+s31] =	stream.strided.scatter [tilespmem:s12], [sflag:$0x2], $0x1000, s8, s31, $0x20;
	[tilespmem:$0x4040] =	vst v63  }
.LBB1_5:
0x19: {  	s13 =	sadd.s32 $0x1000, s9  }
0x1a: {  	p2 =	sgt.s32 s13, $0x1F3FFF  }
0x1b: {  	s13 =	smov.u32 @p2 s3;
	p2 =	sne.s32 s10, s7  }
.Ltmp1:
0x1c: {  	p1 =	slt.u32 s10, $0x2;
	(pc) =	sbr.rel @!p2 .LBB1_6-.Ltmp1, $4  }
0x1d: {  	s12 =	simm.s32 @!p1 $0x2  }
0x1e: {  	s14 =	sadd.s32 $0x1, s10;
	_ =	swait.ge @!p1 [sflag:s12], $0x1000  }
0x1f: {  	s11 =	smov.u32 s9;
	p0 =	por !p0, !p0;
	[sflag:s12] =	ssyncset.done @!p1 $0x0  }
0x20: {  	s10 =	smov.u32 s14;
	s9 =	smov.u32 s13;
	[sflag:s12] =	ssyncadd.s32 @!p1 $0xFFFFF000  }
.LBB1_1:
0x21: {  	p1 =	sge.u32 s10, s6  }
0x22: {  	s12 =	sand.u32 @!p1 $0x1FFFFFF, s9  }
0x23: {  	s13 =	smulhi.u32 @!p1 $0x20C49BB, s12;
	_ =	sdelay $0x1  }
0x24: {  	s13 =	sshrl.u32 @!p1 s13, $0xE  }
0x25: {  	s13 =	smul.u32 @!p1 $0x1F4000, s13;
	_ =	sdelay $0x1  }
0x26: {  	s31 =	sadd.s32 $0xFFFFFFFF, s10;
	s14 =	sxor.u32 @!p1 $0xFFFFFFFF, s10;
	s12 =	ssub.s32 @!p1 s12, s13  }
0x27: {  	s15 =	simm.s32 @!p1 $0x80;
	s14 =	sshll.u32 @!p1 s14, $0xC;
	s12 =	sshll.u32 @!p1 s12, $0x4  }
0x28: {  	s13 =	sand.u32 @!p1 $0x1000, s14;
	s14 =	simm.s32 @!p1 $0x20;
	s12 =	sadd.s32 @!p1 s4, s12  }
0x29: {  	[tilespmem:s13], [sflag:$0x1] =	stream.strided.gather @!p1 [hbm4b:s12+s14], $0x1000, s15, s14, $0x38;
	[tilespmem:$0x4040] =	vst v63  }
0x2a: {  	p1 =	sge.u32 s31, s6  }
.Ltmp2:
0x2b: {  	_ = 	snop;
	(pc) =	sbr.rel @p1 .LBB1_5-.Ltmp2, $1  }
0x2c: {  	_ =	sdelay $0x3  }
0x2d: {  	s12 =	simm.s32 $0x1  }
0x2e: {  	_ =	swait.ge [sflag:s5], $0x1000;
	s12 =	simm.s32 @!p0 $0x0  }
0x2f: {  	[sflag:s5] =	ssyncset.done $0x0;
	s13 =	sshll.u32 s12, $0xC  }
0x30: {  	[sflag:s5] =	ssyncadd.s32 $0xFFFFF000;
	s16 =	sor.u32 $0x10, s13  }
0x31: {  	s12 =	smul.u32 $0x4080, s12;
	v1 =	vld [tilespmem:s16+$0x0]  }
0x32: {  	s30 =	sand.u32 $0x1, s10;
	v0 =	vld [tilespmem:s16+$0xFFFFFFF0]  }
0x33: {  	s13 =	smul.u32 $0x4080, s30;
	s12 =	sshrl.u32 s12, $0x2  }
0x34: {  	s14 =	sor.u32 $0x2000, s12  }
0x35: {  	s31 =	sshrl.u32 s13, $0x2;
	s13 =	sadd.s32 $0x0, s14  }
0x36: {  	s15 =	simm.s32 $0x4;
	s16 =	sadd.s32 $0x20, s16;
	s12 =	sor.u32 $0x2000, s31;
	[tilespmem:s13+$0x810 ss:$0x81] =	vst.msk $0xffff, v1  }
.LBB1_3:
0x37: {  	v1 =	vld [tilespmem:s16+$0x0];
	p1 =	sne.s32 s15, $0x1FC;
	[tilespmem:s13+$0x0 ss:$0x81] =	vst.msk $0xffff, v0;
	s13 =	smov.u32 s15;
	s15 =	sadd.s32 $0x4, s15  }
.Ltmp3:
0x38: {  	v0 =	vld [tilespmem:s16+$0xFFFFFFF0];
	(pc) =	sbr.rel @p1 .LBB1_3-.Ltmp3, $4  }
0x39: {  	_ = 	snop  }
0x3a: {  	s13 =	sshra.s32 s13, $0x2  }
0x3b: {  	s13 =	sadd.s32 s13, s14  }
0x3c: {  	s16 =	sadd.s32 $0x20, s16;
	[tilespmem:s13+$0x810 ss:$0x81] =	vst.msk $0xffff, v1  }
.Ltmp4:
0x3d: {  	_ = 	snop;
	(pc) =	sbr.rel .LBB1_4-.Ltmp4, $1  }
0x3e: {  	_ =	sdelay $0x3  }
.LBB1_6:
0x3f: {  	_ =	sfence.sel $0x180000  }
0x40: {  	s2 =	simm.s32 $0x1;
	[bflag:$0x0] =	sbarrier.arrive $0xFFFF  }
0x41: {  	s31 =	simm.s32 $0x2;
	[sflag:s2] =	ssyncpa.u1 $0x1  }
0x42: {  	[sflag:s31] =	ssyncpa.u1 $0x1  }
0x43: {  	p0 =	sne.s32 s0, $0x0;
	_ =	strace $0x9000004A  }
0x44: {  	s0 =	sadd.s32 @!p0 $0x100000, s1;
	[bflag:$0x2] =	sbarrier.arrive $0xFFFF  }
0x45: {  	[sflag:s0] =	ssyncadd.tile.s32 @!p0 $0x1;
	_ =	shalt  }
.Lfunc_end1:
_tile_overlayer_lowered:
.L_overlay_start_2:
0x46: {  	(tag) =	ssettag $0x2  }
0x47: {  	s0 =	rddreg [dreg:$0x0];
	s2 =	stileid.u32  }
0x48: {  	s1 =	rddreg [dreg:$0x1];
	p0 =	sne.s32 s2, $0x0  }
0x49: {  	s3 =	rddreg [dreg:$0x2];
	[bflag:$0x3] =	sbarrier.arrive $0xFFFF;
	s2 =	simm.s32 @!p0 $0x1C01  }
0x4a: {  	[timem:s3], [sflag:s2] =	dma.local @!p0 [hbm:s0], s1  }
0x4b: {  	s0 =	simm.s32 @!p0 $0x1  }
0x4c: {  	_ =	swait.ge @!p0 [sflag:s0], s1  }
0x4d: {  	s1 =	ssub.s32 @!p0 $0x0, s1;
	[sflag:s0] =	ssyncset.done @!p0 $0x0  }
0x4e: {  	[sflag:s0] =	ssyncadd.s32 @!p0 s1  }
0x4f: {  	[bflag:$0x3] =	sbarrier.arrive $0xFFFF  }
0x50: {  	_ =	shalt  }

</sc_bundles>
